<compile_context>
chip_gen: v7x
topology: tpu7x:2x2x1
jax: 0.10.2.dev20260603
libtpu: 0.0.44.dev20260713+nightly
codegen_flags: <defaults>
</compile_context>

<pallas_src>
import functools

import jax
import jax.numpy as jnp
from jax import lax
from jax.experimental import pallas as pl
from jax.experimental.pallas import tpu as pltpu
from jax.experimental.pallas import tpu_sc as plsc

B = 8
N = 5000
C = 91
NUM_VALID = 81
K = 100
RB = 5000
NP = 5120
NVR = NP // 16
NGRP = 16
GV = NVR // NGRP
KP = 112
BIG = 1 << 20


def _rowmax_body(lg_ref, m_ref, lgp_ref):
    x = lg_ref[0]
    m_ref[0, 0] = jnp.max(x[:, :NUM_VALID], axis=1)
    lgp_ref[0, :, :C] = x


def _rowmax(pred_logits):
    return pl.pallas_call(
        _rowmax_body,
        grid=(B, N // RB),
        in_specs=[pl.BlockSpec((1, RB, C), lambda b, i: (b, i, 0))],
        out_specs=[
            pl.BlockSpec((1, 1, RB), lambda b, i: (b * (N // RB) + i, 0, 0)),
            pl.BlockSpec((1, RB, 128), lambda b, i: (b * (N // RB) + i, 0, 0)),
        ],
        out_shape=[
            jax.ShapeDtypeStruct((B * N // RB, 1, RB), jnp.float32),
            jax.ShapeDtypeStruct((B * N // RB, RB, 128), jnp.float32),
        ],
    )(pred_logits)


def _postprocess_sc(m_hbm, ob_hbm, lgt_hbm, bx_hbm, scl_hbm,
                    outs, outl, outb,
                    svb, ovb, gmb, rkb, rvb, gib, lrows, pmat, rloc,
                    scob, labb, bxob, bxlb, sclvb, sem):
    wid = lax.axis_index("s") * 2 + lax.axis_index("c")

    @pl.when(wid < B)
    def _():
        b = wid
        IOTA = lax.iota(jnp.int32, 16)

        def splat_f(x):
            return jnp.full((16,), x, jnp.float32)

        def splat_i(x):
            return jnp.full((16,), x, jnp.int32)

        lane0 = IOTA == 0

        pltpu.sync_copy(m_hbm.at[pl.ds(b * NP, NP)], svb)
        pltpu.sync_copy(ob_hbm.at[pl.ds(b * NP, NP)], ovb)
        pltpu.sync_copy(bx_hbm.at[pl.ds(b * (4 * N), 4 * N)], bxlb)
        pltpu.sync_copy(scl_hbm.at[pl.ds(b * 16, 16)], sclvb)

        def init_body(i, _):
            idx = i * 16 + IOTA
            mv = plsc.load_gather(svb, [idx])
            ov = plsc.load_gather(ovb, [idx])
            val = jnp.exp(-ov) * (1.0 / (1.0 + jnp.exp(-mv)))
            val = jnp.where(idx < N, val, -1.0)
            plsc.store_scatter(svb, [idx], val)
            return 0

        lax.fori_loop(0, NVR, init_body, 0)

        def gm_body(g, _):
            def inner(j, acc):
                return jnp.maximum(
                    acc, plsc.load_gather(svb, [(g * GV + j) * 16 + IOTA])
                )

            acc = lax.fori_loop(0, GV, inner, splat_f(-2.0))
            plsc.store_scatter(gmb, [g * 16 + IOTA], acc)
            return 0

        lax.fori_loop(0, NGRP, gm_body, 0)

        def cm_body(g, acc):
            return jnp.maximum(acc, plsc.load_gather(gmb, [g * 16 + IOTA]))

        cm = lax.fori_loop(0, NGRP, cm_body, splat_f(-2.0))

        plsc.store_scatter(rvb, [96 + IOTA], splat_f(-1.0))
        plsc.store_scatter(rkb, [96 + IOTA], splat_i(0))
        plsc.store_scatter(gib, [96 + IOTA], splat_i(b * N))

        def extb_body(k, cm):
            mval = jnp.max(cm)
            L = jnp.min(jnp.where(cm == mval, IOTA, BIG))
            colg = plsc.load_gather(gmb, [IOTA * 16 + L])
            g = jnp.min(jnp.where(colg == mval, IOTA, BIG))
            base = g * GV * 16 + L
            idx1 = base + IOTA * 16
            valid2 = IOTA < (GV - 16)
            idx2 = base + (16 + IOTA) * 16
            c1 = plsc.load_gather(svb, [idx1])
            c2 = plsc.load_gather(svb, [jnp.where(valid2, idx2, 0)])
            c2 = jnp.where(valid2, c2, -2.0)
            j1 = jnp.min(jnp.where(c1 == mval, IOTA, BIG))
            j2 = jnp.min(jnp.where(c2 == mval, 16 + IOTA, BIG))
            j = jnp.minimum(j1, j2)
            r = (g * GV + j) * 16 + L
            plsc.store_scatter(rkb, [splat_i(k)], splat_i(r), mask=lane0)
            plsc.store_scatter(rvb, [splat_i(k)], splat_f(mval), mask=lane0)
            plsc.store_scatter(gib, [splat_i(k)], splat_i(b * N + r), mask=lane0)
            plsc.store_scatter(svb, [splat_i(r)], splat_f(-1.0), mask=lane0)
            c1n = jnp.where(idx1 == r, -1.0, c1)
            c2n = jnp.where(idx2 == r, -1.0, c2)
            nm = jnp.maximum(jnp.max(c1n), jnp.max(c2n))
            plsc.store_scatter(gmb, [splat_i(g * 16 + L)], splat_f(nm), mask=lane0)
            colg2 = jnp.where(IOTA == g, nm, colg)
            cm = jnp.where(IOTA == L, jnp.max(colg2), cm)
            return cm

        cm = lax.fori_loop(0, K, extb_body, cm)

        pltpu.async_copy(lgt_hbm.at[gib], lrows, sem).wait()

        def pc_body(i, _):
            iv = splat_i(i)
            rvec = plsc.load_gather(rkb, [iv])
            ov = plsc.load_gather(ovb, [rvec])
            eo = jnp.exp(-ov)
            acc = splat_f(-2.0)
            for off in (0, 16, 32, 48, 64, 80):
                x = plsc.load_gather(lrows, [iv, off + IOTA])
                p = eo * (1.0 / (1.0 + jnp.exp(-x)))
                if off + 16 > NUM_VALID:
                    p = jnp.where(off + IOTA < NUM_VALID, p, -1.0)
                plsc.store_scatter(pmat, [iv, off + IOTA], p)
                acc = jnp.maximum(acc, p)
            racc = jnp.max(acc)
            plsc.store_scatter(rvb, [iv], splat_f(racc), mask=lane0)
            return 0

        lax.fori_loop(0, K, pc_body, 0)

        def vm_body(j, acc):
            return jnp.maximum(acc, plsc.load_gather(rvb, [j * 16 + IOTA]))

        vm = lax.fori_loop(0, KP // 16, vm_body, splat_f(-2.0))

        plsc.store_scatter(rloc, [96 + IOTA], splat_i(0))

        def extc_body(k, vm):
            mval = jnp.max(vm)
            L = jnp.min(jnp.where(vm == mval, IOTA, BIG))
            validc = IOTA < (KP // 16)
            colv = plsc.load_gather(rvb, [jnp.where(validc, IOTA * 16 + L, 0)])
            colv = jnp.where(validc, colv, -2.0)
            jj = jnp.min(jnp.where(colv == mval, IOTA, BIG))
            istar = jj * 16 + L
            iv = splat_i(istar)
            cls_acc = jnp.int32(BIG)
            pvs = []
            for off in (0, 16, 32, 48, 64, 80):
                p = plsc.load_gather(pmat, [iv, off + IOTA])
                cls_acc = jnp.minimum(
                    cls_acc, jnp.min(jnp.where(p == mval, off + IOTA, BIG))
                )
                pvs.append(p)
            nrm = jnp.float32(-2.0)
            for off, p in zip((0, 16, 32, 48, 64, 80), pvs):
                pn = jnp.where(off + IOTA == cls_acc, -1.0, p)
                nrm = jnp.maximum(nrm, jnp.max(pn))
            plsc.store_scatter(pmat, [iv, splat_i(cls_acc)], splat_f(-1.0),
                               mask=lane0)
            plsc.store_scatter(rvb, [iv], splat_f(nrm), mask=lane0)
            kv = splat_i(k)
            plsc.store_scatter(scob, [kv], splat_f(mval), mask=lane0)
            plsc.store_scatter(labb, [kv], splat_i(cls_acc), mask=lane0)
            rv2 = plsc.load_gather(rkb, [iv])
            plsc.store_scatter(rloc, [kv], rv2, mask=lane0)
            colv2 = jnp.where(IOTA == jj, nrm, colv)
            vm = jnp.where(IOTA == L, jnp.max(colv2), vm)
            return vm

        vm = lax.fori_loop(0, K, extc_body, vm)

        def pd_body(v, _):
            pos = v * 16 + IOTA
            obx = pos >> 2
            comp = pos & 3
            r = plsc.load_gather(rloc, [obx])
            c = plsc.load_gather(bxlb, [r * 4 + (comp & 1)])
            w = plsc.load_gather(bxlb, [r * 4 + 2 + (comp & 1)])
            sgn = jnp.where(comp < 2, jnp.float32(-0.5), jnp.float32(0.5))
            scl = plsc.load_gather(sclvb, [comp])
            plsc.store_scatter(bxob, [pos], (c + sgn * w) * scl)
            return 0

        lax.fori_loop(0, (KP * 4) // 16, pd_body, 0)

        pltpu.sync_copy(scob, outs.at[pl.ds(b * KP, KP)])
        pltpu.sync_copy(labb, outl.at[pl.ds(b * KP, KP)])
        pltpu.sync_copy(bxob, outb.at[pl.ds(b * KP * 4, KP * 4)])


def _sc_phase(m_p, ob_p, lgt, bx, scl):
    f32 = jnp.float32
    fn = pl.kernel(
        _postprocess_sc,
        out_type=[
            jax.ShapeDtypeStruct((B * KP,), f32),
            jax.ShapeDtypeStruct((B * KP,), jnp.int32),
            jax.ShapeDtypeStruct((B * KP * 4,), f32),
        ],
        mesh=plsc.VectorSubcoreMesh(core_axis_name="c", subcore_axis_name="s"),
        scratch_types=[
            pltpu.VMEM((NP,), f32),
            pltpu.VMEM((NP,), f32),
            pltpu.VMEM((NGRP * 16,), f32),
            pltpu.VMEM((KP,), jnp.int32),
            pltpu.VMEM((KP,), f32),
            pltpu.VMEM((KP,), jnp.int32),
            pltpu.VMEM((KP, 128), f32),
            pltpu.VMEM((KP, 96), f32),
            pltpu.VMEM((KP,), jnp.int32),
            pltpu.VMEM((KP,), f32),
            pltpu.VMEM((KP,), jnp.int32),
            pltpu.VMEM((KP * 4,), f32),
            pltpu.VMEM((4 * N,), f32),
            pltpu.VMEM((16,), f32),
            pltpu.SemaphoreType.DMA,
        ],
        compiler_params=pltpu.CompilerParams(needs_layout_passes=False),
    )
    return fn(m_p, ob_p, lgt, bx, scl)


def kernel(pred_logits, pred_obj, pred_boxes, target_sizes):
    m, lgp = _rowmax(pred_logits)
    m_p = jnp.pad(m.reshape(B, N), ((0, 0), (0, NP - N))).reshape(-1)
    ob_p = jnp.pad(pred_obj, ((0, 0), (0, NP - N))).reshape(-1)
    lgt = lgp.reshape(B * N, 128)
    bx = pred_boxes.reshape(-1)
    scl = jnp.tile(
        jnp.stack(
            [target_sizes[:, 1], target_sizes[:, 0],
             target_sizes[:, 1], target_sizes[:, 0]], axis=1),
        (1, 4),
    ).reshape(-1)
    outs, outl, outb = _sc_phase(m_p, ob_p, lgt, bx, scl)
    scores = outs.reshape(B, KP)[:, :K]
    labels = outl.reshape(B, KP)[:, :K]
    boxes = outb.reshape(B, KP, 4)[:, :K, :]
    return scores, labels, boxes

# --- scband reference (transcript-rebuilt; emitter-appended) ---
"""Pipeline reference for scband-post-process-2465311228507 (READ-ONLY COPY).

The authoritative reference and input builder live on the scoring server;
editing this copy changes nothing except your own understanding.
"""

import jax, jax.numpy as jnp
import numpy as np

INVALID_CLS = np.array([81, 82, 83, 84, 85, 86, 87, 88, 89, 90], dtype=np.int32)
TEMPERATURE = 1.0
PRED_PER_IM = 100
ALPHA = 1.0


def box_cxcywh_to_xyxy(x):
    cx = x[..., 0]
    cy = x[..., 1]
    w = x[..., 2]
    h = x[..., 3]
    return jnp.stack([cx - 0.5 * w, cy - 0.5 * h, cx + 0.5 * w, cy + 0.5 * h], axis=-1)


def setup_inputs(seed: int = 0) -> dict:
    key = jax.random.key(seed)
    k1, k2, k3, k4 = jax.random.split(key, 4)
    B, N, C = 8, 5000, 91
    pred_logits = jax.random.normal(k1, (B, N, C), dtype=jnp.float32)
    pred_obj = jax.random.normal(k2, (B, N), dtype=jnp.float32)
    pred_boxes = jax.random.uniform(k3, (B, N, 4), dtype=jnp.float32)
    target_sizes = jax.random.uniform(k4, (B, 2), dtype=jnp.float32) * 1000.0 + 200.0
    return {
        'pred_logits': pred_logits,
        'pred_obj': pred_obj,
        'pred_boxes': pred_boxes,
        'target_sizes': target_sizes,
    }


def reference(pred_logits, pred_obj, pred_boxes, target_sizes):
    # out_logits[:, :, invalid_cls_logits] = -1e11
    out_logits = pred_logits.at[:, :, jnp.asarray(INVALID_CLS)].set(-100000000000.0)
    B, N, C = out_logits.shape
    obj_prob = jnp.exp(-TEMPERATURE * pred_obj)[..., None]
    if ALPHA == 1.0:
        prob = obj_prob * jax.nn.sigmoid(out_logits)
    else:
        prob = obj_prob ** ALPHA * jax.nn.sigmoid(out_logits) ** (1.0 - ALPHA)
    topk_values, topk_indexes = jax.lax.top_k(prob.reshape(B, -1), PRED_PER_IM)
    scores = topk_values
    topk_boxes = topk_indexes // C
    labels = topk_indexes % C
    boxes = box_cxcywh_to_xyxy(pred_boxes)
    boxes = jnp.take_along_axis(boxes, topk_boxes[:, :, None], axis=1)
    img_h = target_sizes[:, 0]
    img_w = target_sizes[:, 1]
    scale_fct = jnp.stack([img_w, img_h, img_w, img_h], axis=1)
    boxes = boxes * scale_fct[:, None, :]
    return scores, labels, boxes

if __name__ == "__main__":
    import jax
    _d = setup_inputs()
    print(jax.jit(kernel)(*tuple(_d.values())))

</pallas_src>

<mosaic_0001>
#map = affine_map<(d0, d1) -> (0)>
#map1 = affine_map<(d0, d1) -> (0, 0)>
module attributes {stable_mosaic.version = 14 : i64} {
  func.func @_postprocess_sc(%arg0: i32, %arg1: i32, %arg2: memref<40960xf32, #tpu.memory_space<hbm>>, %arg3: memref<40960xf32, #tpu.memory_space<hbm>>, %arg4: memref<40000x128xf32, #tpu.memory_space<hbm>>, %arg5: memref<160000xf32, #tpu.memory_space<hbm>>, %arg6: memref<128xf32, #tpu.memory_space<hbm>>, %arg7: memref<896xf32, #tpu.memory_space<hbm>>, %arg8: memref<896xi32, #tpu.memory_space<hbm>>, %arg9: memref<3584xf32, #tpu.memory_space<hbm>>, %arg10: memref<5120xf32, #tpu.memory_space<vmem>>, %arg11: memref<5120xf32, #tpu.memory_space<vmem>>, %arg12: memref<256xf32, #tpu.memory_space<vmem>>, %arg13: memref<112xi32, #tpu.memory_space<vmem>>, %arg14: memref<112xf32, #tpu.memory_space<vmem>>, %arg15: memref<112xi32, #tpu.memory_space<vmem>>, %arg16: memref<112x128xf32, #tpu.memory_space<vmem>>, %arg17: memref<112x96xf32, #tpu.memory_space<vmem>>, %arg18: memref<112xi32, #tpu.memory_space<vmem>>, %arg19: memref<112xf32, #tpu.memory_space<vmem>>, %arg20: memref<112xi32, #tpu.memory_space<vmem>>, %arg21: memref<448xf32, #tpu.memory_space<vmem>>, %arg22: memref<20000xf32, #tpu.memory_space<vmem>>, %arg23: memref<16xf32, #tpu.memory_space<vmem>>, %arg24: memref<!tpu.dma_semaphore, #tpu.memory_space<semaphore_mem>>) attributes {dimension_semantics = [#tpu.dimension_semantics<core_parallel>, #tpu.dimension_semantics<subcore_parallel>], iteration_bounds = array<i64: 2, 16>, scalar_prefetch = 0 : i64, scratch_operands = 15 : i64, tpu.core_type = #tpu.core_type<sc_vector_subcore>, window_params = [{transform_indices = #map}, {transform_indices = #map}, {transform_indices = #map1}, {transform_indices = #map}, {transform_indices = #map}, {transform_indices = #map}, {transform_indices = #map}, {transform_indices = #map}]} {
    %mul3A = arith.constant 2 : i32
    %mul3A_0 = arith.muli %arg1, %mul3A : i32
    %add3A = arith.addi %mul3A_0, %arg0 : i32
    %lt3A = arith.constant 8 : i32
    %lt3A_1 = arith.cmpi slt, %add3A, %lt3A : i32
    %convert_element_type3A = arith.extui %lt3A_1 : i1 to i32
    %cond3A = arith.constant 0 : i32
    %cond3A_2 = arith.cmpi ne, %convert_element_type3A, %cond3A : i32
    scf.if %cond3A_2 {
      %iota3A = tpu.iota {dimensions = array<i32: 0>} : vector<16xi32>
      %eq3A = arith.constant 0 : i32
      %eq3A_3 = vector.broadcast %eq3A : i32 to vector<16xi32>
      %eq3A_4 = arith.cmpi eq, %iota3A, %eq3A_3 : vector<16xi32>
      %mul3A_5 = arith.constant 5120 : i32
      %mul3A_6 = arith.muli %add3A, %mul3A_5 : i32
      "tpu.region"() ({
        %run_scoped3A = tpu.sem_alloc : memref<!tpu.dma_semaphore, #tpu.memory_space<semaphore_mem>>
        %dma_start3A_100 = tpu.memref_slice %arg2[%mul3A_6] : memref<40960xf32, #tpu.memory_space<hbm>> -> memref<5120xf32, #tpu.memory_space<hbm>>
        %dma_start3A_101 = tpu.memref_slice %arg2[%mul3A_6] : memref<40960xf32, #tpu.memory_space<hbm>> -> memref<5120xf32, #tpu.memory_space<hbm>>
        tpu.enqueue_dma source(%dma_start3A_101 : memref<5120xf32, #tpu.memory_space<hbm>>) target(%arg10 : memref<5120xf32, #tpu.memory_space<vmem>>) target_semaphore(%run_scoped3A : memref<!tpu.dma_semaphore, #tpu.memory_space<semaphore_mem>>)
        %dma_wait3A_102 = tpu.memref_slice %arg2[%mul3A_6] : memref<40960xf32, #tpu.memory_space<hbm>> -> memref<5120xf32, #tpu.memory_space<hbm>>
        %dma_wait3A_103 = tpu.memref_slice %arg2[%mul3A_6] : memref<40960xf32, #tpu.memory_space<hbm>> -> memref<5120xf32, #tpu.memory_space<hbm>>
        tpu.wait_dma2 semaphore(%run_scoped3A : memref<!tpu.dma_semaphore, #tpu.memory_space<semaphore_mem>>) src(%dma_wait3A_103 : memref<5120xf32, #tpu.memory_space<hbm>>) dst(%arg10 : memref<5120xf32, #tpu.memory_space<vmem>>)
        tpu.yield
      }) : () -> ()
      %mul3A_7 = arith.constant 5120 : i32
      %mul3A_8 = arith.muli %add3A, %mul3A_7 : i32
      "tpu.region"() ({
        %run_scoped3A = tpu.sem_alloc : memref<!tpu.dma_semaphore, #tpu.memory_space<semaphore_mem>>
        %dma_start3A_100 = tpu.memref_slice %arg3[%mul3A_8] : memref<40960xf32, #tpu.memory_space<hbm>> -> memref<5120xf32, #tpu.memory_space<hbm>>
        %dma_start3A_101 = tpu.memref_slice %arg3[%mul3A_8] : memref<40960xf32, #tpu.memory_space<hbm>> -> memref<5120xf32, #tpu.memory_space<hbm>>
        tpu.enqueue_dma source(%dma_start3A_101 : memref<5120xf32, #tpu.memory_space<hbm>>) target(%arg11 : memref<5120xf32, #tpu.memory_space<vmem>>) target_semaphore(%run_scoped3A : memref<!tpu.dma_semaphore, #tpu.memory_space<semaphore_mem>>)
        %dma_wait3A_102 = tpu.memref_slice %arg3[%mul3A_8] : memref<40960xf32, #tpu.memory_space<hbm>> -> memref<5120xf32, #tpu.memory_space<hbm>>
        %dma_wait3A_103 = tpu.memref_slice %arg3[%mul3A_8] : memref<40960xf32, #tpu.memory_space<hbm>> -> memref<5120xf32, #tpu.memory_space<hbm>>
        tpu.wait_dma2 semaphore(%run_scoped3A : memref<!tpu.dma_semaphore, #tpu.memory_space<semaphore_mem>>) src(%dma_wait3A_103 : memref<5120xf32, #tpu.memory_space<hbm>>) dst(%arg11 : memref<5120xf32, #tpu.memory_space<vmem>>)
        tpu.yield
      }) : () -> ()
      %mul3A_9 = arith.constant 20000 : i32
      %mul3A_10 = arith.muli %add3A, %mul3A_9 : i32
      "tpu.region"() ({
        %run_scoped3A = tpu.sem_alloc : memref<!tpu.dma_semaphore, #tpu.memory_space<semaphore_mem>>
        %dma_start3A_100 = tpu.memref_slice %arg5[%mul3A_10] : memref<160000xf32, #tpu.memory_space<hbm>> -> memref<20000xf32, #tpu.memory_space<hbm>>
        %dma_start3A_101 = tpu.memref_slice %arg5[%mul3A_10] : memref<160000xf32, #tpu.memory_space<hbm>> -> memref<20000xf32, #tpu.memory_space<hbm>>
        tpu.enqueue_dma source(%dma_start3A_101 : memref<20000xf32, #tpu.memory_space<hbm>>) target(%arg22 : memref<20000xf32, #tpu.memory_space<vmem>>) target_semaphore(%run_scoped3A : memref<!tpu.dma_semaphore, #tpu.memory_space<semaphore_mem>>)
        %dma_wait3A_102 = tpu.memref_slice %arg5[%mul3A_10] : memref<160000xf32, #tpu.memory_space<hbm>> -> memref<20000xf32, #tpu.memory_space<hbm>>
        %dma_wait3A_103 = tpu.memref_slice %arg5[%mul3A_10] : memref<160000xf32, #tpu.memory_space<hbm>> -> memref<20000xf32, #tpu.memory_space<hbm>>
        tpu.wait_dma2 semaphore(%run_scoped3A : memref<!tpu.dma_semaphore, #tpu.memory_space<semaphore_mem>>) src(%dma_wait3A_103 : memref<20000xf32, #tpu.memory_space<hbm>>) dst(%arg22 : memref<20000xf32, #tpu.memory_space<vmem>>)
        tpu.yield
      }) : () -> ()
      %mul3A_11 = arith.constant 16 : i32
      %mul3A_12 = arith.muli %add3A, %mul3A_11 : i32
      "tpu.region"() ({
        %run_scoped3A = tpu.sem_alloc : memref<!tpu.dma_semaphore, #tpu.memory_space<semaphore_mem>>
        %dma_start3A_100 = tpu.memref_slice %arg6[%mul3A_12] : memref<128xf32, #tpu.memory_space<hbm>> -> memref<16xf32, #tpu.memory_space<hbm>>
        %dma_start3A_101 = tpu.memref_slice %arg6[%mul3A_12] : memref<128xf32, #tpu.memory_space<hbm>> -> memref<16xf32, #tpu.memory_space<hbm>>
        tpu.enqueue_dma source(%dma_start3A_101 : memref<16xf32, #tpu.memory_space<hbm>>) target(%arg23 : memref<16xf32, #tpu.memory_space<vmem>>) target_semaphore(%run_scoped3A : memref<!tpu.dma_semaphore, #tpu.memory_space<semaphore_mem>>)
        %dma_wait3A_102 = tpu.memref_slice %arg6[%mul3A_12] : memref<128xf32, #tpu.memory_space<hbm>> -> memref<16xf32, #tpu.memory_space<hbm>>
        %dma_wait3A_103 = tpu.memref_slice %arg6[%mul3A_12] : memref<128xf32, #tpu.memory_space<hbm>> -> memref<16xf32, #tpu.memory_space<hbm>>
        tpu.wait_dma2 semaphore(%run_scoped3A : memref<!tpu.dma_semaphore, #tpu.memory_space<semaphore_mem>>) src(%dma_wait3A_103 : memref<16xf32, #tpu.memory_space<hbm>>) dst(%arg23 : memref<16xf32, #tpu.memory_space<vmem>>)
        tpu.yield
      }) : () -> ()
      %scan3A = arith.constant 0 : i32
      %scan3A_13 = arith.constant 0 : i32
      %scan3A_14 = arith.constant 320 : i32
      %scan3A_15 = arith.addi %scan3A_13, %scan3A_14 : i32
      %scan3A_16 = arith.constant 1 : i32
      %scan3A_17 = scf.for %scan3A_100 = %scan3A_13 to %scan3A_15 step %scan3A_16 iter_args(%scan3A_101 = %scan3A) -> (i32)  : i32 {
        %mul3A_102 = arith.constant 16 : i32
        %mul3A_103 = arith.muli %scan3A_100, %mul3A_102 : i32
        %add3A_104 = vector.broadcast %mul3A_103 : i32 to vector<16xi32>
        %add3A_105 = arith.addi %add3A_104, %iota3A : vector<16xi32>
        %gather3A = tpu.vector_load_idx %arg10[%add3A_105] : memref<5120xf32, #tpu.memory_space<vmem>>[vector<16xi32>], vector<16xf32>,
        %gather3A_106 = tpu.vector_load_idx %arg11[%add3A_105] : memref<5120xf32, #tpu.memory_space<vmem>>[vector<16xi32>], vector<16xf32>,
        %neg3A = arith.constant 0.000000e+00 : f32
        %neg3A_107 = vector.broadcast %neg3A : f32 to vector<16xf32>
        %neg3A_108 = arith.subf %neg3A_107, %gather3A_106 : vector<16xf32>
        %exp3A = math.exp %neg3A_108 : vector<16xf32>
        %neg3A_109 = arith.constant 0.000000e+00 : f32
        %neg3A_110 = vector.broadcast %neg3A_109 : f32 to vector<16xf32>
        %neg3A_111 = arith.subf %neg3A_110, %gather3A : vector<16xf32>
        %exp3A_112 = math.exp %neg3A_111 : vector<16xf32>
        %add3A_113 = arith.constant 1.000000e+00 : f32
        %add3A_114 = vector.broadcast %add3A_113 : f32 to vector<16xf32>
        %add3A_115 = arith.addf %add3A_114, %exp3A_112 : vector<16xf32>
        %div3A = arith.constant 1.000000e+00 : f32
        %div3A_116 = vector.broadcast %div3A : f32 to vector<16xf32>
        %div3A_117 = arith.divf %div3A_116, %add3A_115 : vector<16xf32>
        %mul3A_118 = arith.mulf %exp3A, %div3A_117 : vector<16xf32>
        %lt3A_119 = arith.constant 5000 : i32
        %lt3A_120 = vector.broadcast %lt3A_119 : i32 to vector<16xi32>
        %lt3A_121 = arith.cmpi slt, %add3A_105, %lt3A_120 : vector<16xi32>
        %jit3A = arith.constant -1.000000e+00 : f32
        %broadcast_in_dim3A_122 = vector.broadcast %jit3A : f32 to vector<16xf32>
        %select_n3A = arith.select %lt3A_121, %mul3A_118, %broadcast_in_dim3A_122 : vector<16xi1>, vector<16xf32>
        tpu.vector_store_idx %arg10[%add3A_105], %select_n3A : memref<5120xf32, #tpu.memory_space<vmem>>[vector<16xi32>], vector<16xf32>,
        %scan3A_123 = arith.constant 0 : i32
        scf.yield %scan3A_123 : i32
      }
      %scan3A_18 = arith.constant 320 : i32
      %scan3A_19 = arith.constant 0 : i32
      %scan3A_20 = arith.constant 0 : i32
      %scan3A_21 = arith.constant 16 : i32
      %scan3A_22 = arith.addi %scan3A_20, %scan3A_21 : i32
      %scan3A_23 = arith.constant 1 : i32
      %scan3A_24 = scf.for %scan3A_100 = %scan3A_20 to %scan3A_22 step %scan3A_23 iter_args(%scan3A_101 = %scan3A_19) -> (i32)  : i32 {
        %broadcast_in_dim3A_102 = arith.constant -2.000000e+00 : f32
        %broadcast_in_dim3A_103 = vector.broadcast %broadcast_in_dim3A_102 : f32 to vector<16xf32>
        %scan3A_104 = arith.constant 0 : i32
        %scan3A_105 = arith.constant 20 : i32
        %scan3A_106 = arith.addi %scan3A_104, %scan3A_105 : i32
        %scan3A_107 = arith.constant 1 : i32
        %scan3A_108 = scf.for %scan3A_115 = %scan3A_104 to %scan3A_106 step %scan3A_107 iter_args(%scan3A_116 = %broadcast_in_dim3A_103) -> (vector<16xf32>)  : i32 {
          %mul3A_117 = arith.constant 20 : i32
          %mul3A_118 = arith.muli %scan3A_100, %mul3A_117 : i32
          %add3A_119 = arith.addi %mul3A_118, %scan3A_115 : i32
          %mul3A_120 = arith.constant 16 : i32
          %mul3A_121 = arith.muli %add3A_119, %mul3A_120 : i32
          %add3A_122 = vector.broadcast %mul3A_121 : i32 to vector<16xi32>
          %add3A_123 = arith.addi %add3A_122, %iota3A : vector<16xi32>
          %gather3A = tpu.vector_load_idx %arg10[%add3A_123] : memref<5120xf32, #tpu.memory_space<vmem>>[vector<16xi32>], vector<16xf32>,
          %max3A = arith.maximumf %scan3A_116, %gather3A : vector<16xf32>
          scf.yield %max3A : vector<16xf32>
        }
        %scan3A_109 = arith.constant 20 : i32
        %mul3A_110 = arith.constant 16 : i32
        %mul3A_111 = arith.muli %scan3A_100, %mul3A_110 : i32
        %add3A_112 = vector.broadcast %mul3A_111 : i32 to vector<16xi32>
        %add3A_113 = arith.addi %add3A_112, %iota3A : vector<16xi32>
        tpu.vector_store_idx %arg12[%add3A_113], %scan3A_108 : memref<256xf32, #tpu.memory_space<vmem>>[vector<16xi32>], vector<16xf32>,
        %scan3A_114 = arith.constant 0 : i32
        scf.yield %scan3A_114 : i32
      }
      %scan3A_25 = arith.constant 16 : i32
      %broadcast_in_dim3A = arith.constant -2.000000e+00 : f32
      %broadcast_in_dim3A_26 = vector.broadcast %broadcast_in_dim3A : f32 to vector<16xf32>
      %scan3A_27 = arith.constant 0 : i32
      %scan3A_28 = arith.constant 16 : i32
      %scan3A_29 = arith.addi %scan3A_27, %scan3A_28 : i32
      %scan3A_30 = arith.constant 1 : i32
      %scan3A_31 = scf.for %scan3A_100 = %scan3A_27 to %scan3A_29 step %scan3A_30 iter_args(%scan3A_101 = %broadcast_in_dim3A_26) -> (vector<16xf32>)  : i32 {
        %mul3A_102 = arith.constant 16 : i32
        %mul3A_103 = arith.muli %scan3A_100, %mul3A_102 : i32
        %add3A_104 = vector.broadcast %mul3A_103 : i32 to vector<16xi32>
        %add3A_105 = arith.addi %add3A_104, %iota3A : vector<16xi32>
        %gather3A = tpu.vector_load_idx %arg12[%add3A_105] : memref<256xf32, #tpu.memory_space<vmem>>[vector<16xi32>], vector<16xf32>,
        %max3A = arith.maximumf %scan3A_101, %gather3A : vector<16xf32>
        scf.yield %max3A : vector<16xf32>
      }
      %scan3A_32 = arith.constant 16 : i32
      %add3A_33 = arith.constant 96 : i32
      %add3A_34 = vector.broadcast %add3A_33 : i32 to vector<16xi32>
      %add3A_35 = arith.addi %add3A_34, %iota3A : vector<16xi32>
      %broadcast_in_dim3A_36 = arith.constant -1.000000e+00 : f32
      %broadcast_in_dim3A_37 = vector.broadcast %broadcast_in_dim3A_36 : f32 to vector<16xf32>
      tpu.vector_store_idx %arg14[%add3A_35], %broadcast_in_dim3A_37 : memref<112xf32, #tpu.memory_space<vmem>>[vector<16xi32>], vector<16xf32>,
      %add3A_38 = arith.constant 96 : i32
      %add3A_39 = vector.broadcast %add3A_38 : i32 to vector<16xi32>
      %add3A_40 = arith.addi %add3A_39, %iota3A : vector<16xi32>
      %broadcast_in_dim3A_41 = arith.constant 0 : i32
      %broadcast_in_dim3A_42 = vector.broadcast %broadcast_in_dim3A_41 : i32 to vector<16xi32>
      tpu.vector_store_idx %arg13[%add3A_40], %broadcast_in_dim3A_42 : memref<112xi32, #tpu.memory_space<vmem>>[vector<16xi32>], vector<16xi32>,
      %add3A_43 = arith.constant 96 : i32
      %add3A_44 = vector.broadcast %add3A_43 : i32 to vector<16xi32>
      %add3A_45 = arith.addi %add3A_44, %iota3A : vector<16xi32>
      %mul3A_46 = arith.constant 5000 : i32
      %mul3A_47 = arith.muli %add3A, %mul3A_46 : i32
      %broadcast_in_dim3A_48 = vector.broadcast %mul3A_47 : i32 to vector<16xi32>
      tpu.vector_store_idx %arg15[%add3A_45], %broadcast_in_dim3A_48 : memref<112xi32, #tpu.memory_space<vmem>>[vector<16xi32>], vector<16xi32>,
      %scan3A_49 = arith.constant 0 : i32
      %scan3A_50 = arith.constant 100 : i32
      %scan3A_51 = arith.addi %scan3A_49, %scan3A_50 : i32
      %scan3A_52 = arith.constant 1 : i32
      %scan3A_53 = scf.for %scan3A_100 = %scan3A_49 to %scan3A_51 step %scan3A_52 iter_args(%scan3A_101 = %scan3A_31) -> (vector<16xf32>)  : i32 {
        %reduce_max3A = arith.constant true
        %reduce_max3A_102 = vector.broadcast %reduce_max3A : i1 to vector<16xi1>
        %reduce_max3A_103 = tpu.scan <max>, %scan3A_101 masked %reduce_max3A_102 : vector<16xf32>, vector<16xi1> -> vector<16xf32>
        %reduce_max3A_104 = vector.extract %reduce_max3A_103[15] : f32 from vector<16xf32>
        %eq3A_105 = vector.broadcast %reduce_max3A_104 : f32 to vector<16xf32>
        %eq3A_106 = arith.cmpf oeq, %scan3A_101, %eq3A_105 : vector<16xf32>
        %jit3A = arith.constant 1048576 : i32
        %broadcast_in_dim3A_107 = vector.broadcast %jit3A : i32 to vector<16xi32>
        %select_n3A = arith.select %eq3A_106, %iota3A, %broadcast_in_dim3A_107 : vector<16xi1>, vector<16xi32>
        %reduce_min3A = arith.constant true
        %reduce_min3A_108 = vector.broadcast %reduce_min3A : i1 to vector<16xi1>
        %reduce_min3A_109 = arith.constant -2147483648 : i32
        %reduce_min3A_110 = vector.broadcast %reduce_min3A_109 : i32 to vector<16xi32>
        %reduce_min3A_111 = arith.xori %select_n3A, %reduce_min3A_110 : vector<16xi32>
        %reduce_min3A_112 = tpu.scan <min>, %reduce_min3A_111 masked %reduce_min3A_108 : vector<16xi32>, vector<16xi1> -> vector<16xi32>
        %reduce_min3A_113 = arith.xori %reduce_min3A_112, %reduce_min3A_110 : vector<16xi32>
        %reduce_min3A_114 = vector.extract %reduce_min3A_113[15] : i32 from vector<16xi32>
        %mul3A_115 = arith.constant 16 : i32
        %mul3A_116 = vector.broadcast %mul3A_115 : i32 to vector<16xi32>
        %mul3A_117 = arith.muli %iota3A, %mul3A_116 : vector<16xi32>
        %add3A_118 = vector.broadcast %reduce_min3A_114 : i32 to vector<16xi32>
        %add3A_119 = arith.addi %mul3A_117, %add3A_118 : vector<16xi32>
        %gather3A = tpu.vector_load_idx %arg12[%add3A_119] : memref<256xf32, #tpu.memory_space<vmem>>[vector<16xi32>], vector<16xf32>,
        %eq3A_120 = vector.broadcast %reduce_max3A_104 : f32 to vector<16xf32>
        %eq3A_121 = arith.cmpf oeq, %gather3A, %eq3A_120 : vector<16xf32>
        %jit3A_122 = arith.constant 1048576 : i32
        %broadcast_in_dim3A_123 = vector.broadcast %jit3A_122 : i32 to vector<16xi32>
        %select_n3A_124 = arith.select %eq3A_121, %iota3A, %broadcast_in_dim3A_123 : vector<16xi1>, vector<16xi32>
        %reduce_min3A_125 = arith.constant true
        %reduce_min3A_126 = vector.broadcast %reduce_min3A_125 : i1 to vector<16xi1>
        %reduce_min3A_127 = arith.constant -2147483648 : i32
        %reduce_min3A_128 = vector.broadcast %reduce_min3A_127 : i32 to vector<16xi32>
        %reduce_min3A_129 = arith.xori %select_n3A_124, %reduce_min3A_128 : vector<16xi32>
        %reduce_min3A_130 = tpu.scan <min>, %reduce_min3A_129 masked %reduce_min3A_126 : vector<16xi32>, vector<16xi1> -> vector<16xi32>
        %reduce_min3A_131 = arith.xori %reduce_min3A_130, %reduce_min3A_128 : vector<16xi32>
        %reduce_min3A_132 = vector.extract %reduce_min3A_131[15] : i32 from vector<16xi32>
        %mul3A_133 = arith.constant 20 : i32
        %mul3A_134 = arith.muli %reduce_min3A_132, %mul3A_133 : i32
        %mul3A_135 = arith.constant 16 : i32
        %mul3A_136 = arith.muli %mul3A_134, %mul3A_135 : i32
        %add3A_137 = arith.addi %mul3A_136, %reduce_min3A_114 : i32
        %mul3A_138 = arith.constant 16 : i32
        %mul3A_139 = vector.broadcast %mul3A_138 : i32 to vector<16xi32>
        %mul3A_140 = arith.muli %iota3A, %mul3A_139 : vector<16xi32>
        %add3A_141 = vector.broadcast %add3A_137 : i32 to vector<16xi32>
        %add3A_142 = arith.addi %add3A_141, %mul3A_140 : vector<16xi32>
        %lt3A_143 = arith.constant 4 : i32
        %lt3A_144 = vector.broadcast %lt3A_143 : i32 to vector<16xi32>
        %lt3A_145 = arith.cmpi slt, %iota3A, %lt3A_144 : vector<16xi32>
        %add3A_146 = arith.constant 16 : i32
        %add3A_147 = vector.broadcast %add3A_146 : i32 to vector<16xi32>
        %add3A_148 = arith.addi %add3A_147, %iota3A : vector<16xi32>
        %mul3A_149 = arith.constant 16 : i32
        %mul3A_150 = vector.broadcast %mul3A_149 : i32 to vector<16xi32>
        %mul3A_151 = arith.muli %add3A_148, %mul3A_150 : vector<16xi32>
        %add3A_152 = vector.broadcast %add3A_137 : i32 to vector<16xi32>
        %add3A_153 = arith.addi %add3A_152, %mul3A_151 : vector<16xi32>
        %gather3A_154 = tpu.vector_load_idx %arg10[%add3A_142] : memref<5120xf32, #tpu.memory_space<vmem>>[vector<16xi32>], vector<16xf32>,
        %jit3A_155 = arith.constant 0 : i32
        %broadcast_in_dim3A_156 = vector.broadcast %jit3A_155 : i32 to vector<16xi32>
        %select_n3A_157 = arith.select %lt3A_145, %add3A_153, %broadcast_in_dim3A_156 : vector<16xi1>, vector<16xi32>
        %gather3A_158 = tpu.vector_load_idx %arg10[%select_n3A_157] : memref<5120xf32, #tpu.memory_space<vmem>>[vector<16xi32>], vector<16xf32>,
        %jit3A_159 = arith.constant -2.000000e+00 : f32
        %broadcast_in_dim3A_160 = vector.broadcast %jit3A_159 : f32 to vector<16xf32>
        %select_n3A_161 = arith.select %lt3A_145, %gather3A_158, %broadcast_in_dim3A_160 : vector<16xi1>, vector<16xf32>
        %eq3A_162 = vector.broadcast %reduce_max3A_104 : f32 to vector<16xf32>
        %eq3A_163 = arith.cmpf oeq, %gather3A_154, %eq3A_162 : vector<16xf32>
        %jit3A_164 = arith.constant 1048576 : i32
        %broadcast_in_dim3A_165 = vector.broadcast %jit3A_164 : i32 to vector<16xi32>
        %select_n3A_166 = arith.select %eq3A_163, %iota3A, %broadcast_in_dim3A_165 : vector<16xi1>, vector<16xi32>
        %reduce_min3A_167 = arith.constant true
        %reduce_min3A_168 = vector.broadcast %reduce_min3A_167 : i1 to vector<16xi1>
        %reduce_min3A_169 = arith.constant -2147483648 : i32
        %reduce_min3A_170 = vector.broadcast %reduce_min3A_169 : i32 to vector<16xi32>
        %reduce_min3A_171 = arith.xori %select_n3A_166, %reduce_min3A_170 : vector<16xi32>
        %reduce_min3A_172 = tpu.scan <min>, %reduce_min3A_171 masked %reduce_min3A_168 : vector<16xi32>, vector<16xi1> -> vector<16xi32>
        %reduce_min3A_173 = arith.xori %reduce_min3A_172, %reduce_min3A_170 : vector<16xi32>
        %reduce_min3A_174 = vector.extract %reduce_min3A_173[15] : i32 from vector<16xi32>
        %eq3A_175 = vector.broadcast %reduce_max3A_104 : f32 to vector<16xf32>
        %eq3A_176 = arith.cmpf oeq, %select_n3A_161, %eq3A_175 : vector<16xf32>
        %add3A_177 = arith.constant 16 : i32
        %add3A_178 = vector.broadcast %add3A_177 : i32 to vector<16xi32>
        %add3A_179 = arith.addi %add3A_178, %iota3A : vector<16xi32>
        %jit3A_180 = arith.constant 1048576 : i32
        %broadcast_in_dim3A_181 = vector.broadcast %jit3A_180 : i32 to vector<16xi32>
        %select_n3A_182 = arith.select %eq3A_176, %add3A_179, %broadcast_in_dim3A_181 : vector<16xi1>, vector<16xi32>
        %reduce_min3A_183 = arith.constant true
        %reduce_min3A_184 = vector.broadcast %reduce_min3A_183 : i1 to vector<16xi1>
        %reduce_min3A_185 = arith.constant -2147483648 : i32
        %reduce_min3A_186 = vector.broadcast %reduce_min3A_185 : i32 to vector<16xi32>
        %reduce_min3A_187 = arith.xori %select_n3A_182, %reduce_min3A_186 : vector<16xi32>
        %reduce_min3A_188 = tpu.scan <min>, %reduce_min3A_187 masked %reduce_min3A_184 : vector<16xi32>, vector<16xi1> -> vector<16xi32>
        %reduce_min3A_189 = arith.xori %reduce_min3A_188, %reduce_min3A_186 : vector<16xi32>
        %reduce_min3A_190 = vector.extract %reduce_min3A_189[15] : i32 from vector<16xi32>
        %min3A = arith.minsi %reduce_min3A_174, %reduce_min3A_190 : i32
        %mul3A_191 = arith.constant 20 : i32
        %mul3A_192 = arith.muli %reduce_min3A_132, %mul3A_191 : i32
        %add3A_193 = arith.addi %mul3A_192, %min3A : i32
        %mul3A_194 = arith.constant 16 : i32
        %mul3A_195 = arith.muli %add3A_193, %mul3A_194 : i32
        %add3A_196 = arith.addi %mul3A_195, %reduce_min3A_114 : i32
        %broadcast_in_dim3A_197 = vector.broadcast %scan3A_100 : i32 to vector<16xi32>
        %broadcast_in_dim3A_198 = vector.broadcast %add3A_196 : i32 to vector<16xi32>
        tpu.vector_store_idx %arg13[%broadcast_in_dim3A_197], %broadcast_in_dim3A_198 masked %eq3A_4 : memref<112xi32, #tpu.memory_space<vmem>>[vector<16xi32>], vector<16xi32>, vector<16xi1>
        %broadcast_in_dim3A_199 = vector.broadcast %scan3A_100 : i32 to vector<16xi32>
        %broadcast_in_dim3A_200 = vector.broadcast %reduce_max3A_104 : f32 to vector<16xf32>
        tpu.vector_store_idx %arg14[%broadcast_in_dim3A_199], %broadcast_in_dim3A_200 masked %eq3A_4 : memref<112xf32, #tpu.memory_space<vmem>>[vector<16xi32>], vector<16xf32>, vector<16xi1>
        %broadcast_in_dim3A_201 = vector.broadcast %scan3A_100 : i32 to vector<16xi32>
        %mul3A_202 = arith.constant 5000 : i32
        %mul3A_203 = arith.muli %add3A, %mul3A_202 : i32
        %add3A_204 = arith.addi %mul3A_203, %add3A_196 : i32
        %broadcast_in_dim3A_205 = vector.broadcast %add3A_204 : i32 to vector<16xi32>
        tpu.vector_store_idx %arg15[%broadcast_in_dim3A_201], %broadcast_in_dim3A_205 masked %eq3A_4 : memref<112xi32, #tpu.memory_space<vmem>>[vector<16xi32>], vector<16xi32>, vector<16xi1>
        %broadcast_in_dim3A_206 = vector.broadcast %add3A_196 : i32 to vector<16xi32>
        %broadcast_in_dim3A_207 = arith.constant -1.000000e+00 : f32
        %broadcast_in_dim3A_208 = vector.broadcast %broadcast_in_dim3A_207 : f32 to vector<16xf32>
        tpu.vector_store_idx %arg10[%broadcast_in_dim3A_206], %broadcast_in_dim3A_208 masked %eq3A_4 : memref<5120xf32, #tpu.memory_space<vmem>>[vector<16xi32>], vector<16xf32>, vector<16xi1>
        %eq3A_209 = vector.broadcast %add3A_196 : i32 to vector<16xi32>
        %eq3A_210 = arith.cmpi eq, %add3A_142, %eq3A_209 : vector<16xi32>
        %jit3A_211 = arith.constant -1.000000e+00 : f32
        %broadcast_in_dim3A_212 = vector.broadcast %jit3A_211 : f32 to vector<16xf32>
        %select_n3A_213 = arith.select %eq3A_210, %broadcast_in_dim3A_212, %gather3A_154 : vector<16xi1>, vector<16xf32>
        %eq3A_214 = vector.broadcast %add3A_196 : i32 to vector<16xi32>
        %eq3A_215 = arith.cmpi eq, %add3A_153, %eq3A_214 : vector<16xi32>
        %jit3A_216 = arith.constant -1.000000e+00 : f32
        %broadcast_in_dim3A_217 = vector.broadcast %jit3A_216 : f32 to vector<16xf32>
        %select_n3A_218 = arith.select %eq3A_215, %broadcast_in_dim3A_217, %select_n3A_161 : vector<16xi1>, vector<16xf32>
        %reduce_max3A_219 = arith.constant true
        %reduce_max3A_220 = vector.broadcast %reduce_max3A_219 : i1 to vector<16xi1>
        %reduce_max3A_221 = tpu.scan <max>, %select_n3A_213 masked %reduce_max3A_220 : vector<16xf32>, vector<16xi1> -> vector<16xf32>
        %reduce_max3A_222 = vector.extract %reduce_max3A_221[15] : f32 from vector<16xf32>
        %reduce_max3A_223 = arith.constant true
        %reduce_max3A_224 = vector.broadcast %reduce_max3A_223 : i1 to vector<16xi1>
        %reduce_max3A_225 = tpu.scan <max>, %select_n3A_218 masked %reduce_max3A_224 : vector<16xf32>, vector<16xi1> -> vector<16xf32>
        %reduce_max3A_226 = vector.extract %reduce_max3A_225[15] : f32 from vector<16xf32>
        %max3A = arith.maximumf %reduce_max3A_222, %reduce_max3A_226 : f32
        %mul3A_227 = arith.constant 16 : i32
        %mul3A_228 = arith.muli %reduce_min3A_132, %mul3A_227 : i32
        %add3A_229 = arith.addi %mul3A_228, %reduce_min3A_114 : i32
        %broadcast_in_dim3A_230 = vector.broadcast %add3A_229 : i32 to vector<16xi32>
        %broadcast_in_dim3A_231 = vector.broadcast %max3A : f32 to vector<16xf32>
        tpu.vector_store_idx %arg12[%broadcast_in_dim3A_230], %broadcast_in_dim3A_231 masked %eq3A_4 : memref<256xf32, #tpu.memory_space<vmem>>[vector<16xi32>], vector<16xf32>, vector<16xi1>
        %eq3A_232 = vector.broadcast %reduce_min3A_132 : i32 to vector<16xi32>
        %eq3A_233 = arith.cmpi eq, %iota3A, %eq3A_232 : vector<16xi32>
        %broadcast_in_dim3A_234 = vector.broadcast %max3A : f32 to vector<16xf32>
        %select_n3A_235 = arith.select %eq3A_233, %broadcast_in_dim3A_234, %gather3A : vector<16xi1>, vector<16xf32>
        %eq3A_236 = vector.broadcast %reduce_min3A_114 : i32 to vector<16xi32>
        %eq3A_237 = arith.cmpi eq, %iota3A, %eq3A_236 : vector<16xi32>
        %reduce_max3A_238 = arith.constant true
        %reduce_max3A_239 = vector.broadcast %reduce_max3A_238 : i1 to vector<16xi1>
        %reduce_max3A_240 = tpu.scan <max>, %select_n3A_235 masked %reduce_max3A_239 : vector<16xf32>, vector<16xi1> -> vector<16xf32>
        %reduce_max3A_241 = vector.extract %reduce_max3A_240[15] : f32 from vector<16xf32>
        %broadcast_in_dim3A_242 = vector.broadcast %reduce_max3A_241 : f32 to vector<16xf32>
        %select_n3A_243 = arith.select %eq3A_237, %broadcast_in_dim3A_242, %scan3A_101 : vector<16xi1>, vector<16xf32>
        scf.yield %select_n3A_243 : vector<16xf32>
      }
      %scan3A_54 = arith.constant 100 : i32
      %dma_start3A = arith.constant 0 : i32
      %dma_start3A_55 = arith.constant 0 : i32
      %dma_start3A_56 = tpu.memref_slice %arg4[%dma_start3A, %dma_start3A_55] : memref<40000x128xf32, #tpu.memory_space<hbm>> -> memref<40000x128xf32, #tpu.memory_space<hbm>>
      tpu.enqueue_indirect_dma source(%dma_start3A_56 : memref<40000x128xf32, #tpu.memory_space<hbm>>) target(%arg16 : memref<112x128xf32, #tpu.memory_space<vmem>>) offsets(%arg15 : memref<112xi32, #tpu.memory_space<vmem>>) semaphore(%arg24 : memref<!tpu.dma_semaphore, #tpu.memory_space<semaphore_mem>>)
      %dma_wait3A = arith.constant 0 : i32
      %dma_wait3A_57 = arith.constant 0 : i32
      %dma_wait3A_58 = tpu.memref_slice %arg4[%dma_wait3A, %dma_wait3A_57] : memref<40000x128xf32, #tpu.memory_space<hbm>> -> memref<40000x128xf32, #tpu.memory_space<hbm>>
      tpu.wait_indirect_dma semaphore(%arg24 : memref<!tpu.dma_semaphore, #tpu.memory_space<semaphore_mem>>) src(%dma_wait3A_58 : memref<40000x128xf32, #tpu.memory_space<hbm>>) dst(%arg16 : memref<112x128xf32, #tpu.memory_space<vmem>>)
      %scan3A_59 = arith.constant 0 : i32
      %scan3A_60 = arith.constant 0 : i32
      %scan3A_61 = arith.constant 100 : i32
      %scan3A_62 = arith.addi %scan3A_60, %scan3A_61 : i32
      %scan3A_63 = arith.constant 1 : i32
      %scan3A_64 = scf.for %scan3A_100 = %scan3A_60 to %scan3A_62 step %scan3A_63 iter_args(%scan3A_101 = %scan3A_59) -> (i32)  : i32 {
        %broadcast_in_dim3A_102 = vector.broadcast %scan3A_100 : i32 to vector<16xi32>
        %gather3A = tpu.vector_load_idx %arg13[%broadcast_in_dim3A_102] : memref<112xi32, #tpu.memory_space<vmem>>[vector<16xi32>], vector<16xi32>,
        %gather3A_103 = tpu.vector_load_idx %arg11[%gather3A] : memref<5120xf32, #tpu.memory_space<vmem>>[vector<16xi32>], vector<16xf32>,
        %neg3A = arith.constant 0.000000e+00 : f32
        %neg3A_104 = vector.broadcast %neg3A : f32 to vector<16xf32>
        %neg3A_105 = arith.subf %neg3A_104, %gather3A_103 : vector<16xf32>
        %exp3A = math.exp %neg3A_105 : vector<16xf32>
        %broadcast_in_dim3A_106 = arith.constant -2.000000e+00 : f32
        %broadcast_in_dim3A_107 = vector.broadcast %broadcast_in_dim3A_106 : f32 to vector<16xf32>
        %add3A_108 = arith.constant 0 : i32
        %add3A_109 = vector.broadcast %add3A_108 : i32 to vector<16xi32>
        %add3A_110 = arith.addi %add3A_109, %iota3A : vector<16xi32>
        %gather3A_111 = tpu.vector_load_idx %arg16[%broadcast_in_dim3A_102, %add3A_110] : memref<112x128xf32, #tpu.memory_space<vmem>>[vector<16xi32>, vector<16xi32>], vector<16xf32>,
        %neg3A_112 = arith.constant 0.000000e+00 : f32
        %neg3A_113 = vector.broadcast %neg3A_112 : f32 to vector<16xf32>
        %neg3A_114 = arith.subf %neg3A_113, %gather3A_111 : vector<16xf32>
        %exp3A_115 = math.exp %neg3A_114 : vector<16xf32>
        %add3A_116 = arith.constant 1.000000e+00 : f32
        %add3A_117 = vector.broadcast %add3A_116 : f32 to vector<16xf32>
        %add3A_118 = arith.addf %add3A_117, %exp3A_115 : vector<16xf32>
        %div3A = arith.constant 1.000000e+00 : f32
        %div3A_119 = vector.broadcast %div3A : f32 to vector<16xf32>
        %div3A_120 = arith.divf %div3A_119, %add3A_118 : vector<16xf32>
        %mul3A_121 = arith.mulf %exp3A, %div3A_120 : vector<16xf32>
        %add3A_122 = arith.constant 0 : i32
        %add3A_123 = vector.broadcast %add3A_122 : i32 to vector<16xi32>
        %add3A_124 = arith.addi %add3A_123, %iota3A : vector<16xi32>
        tpu.vector_store_idx %arg17[%broadcast_in_dim3A_102, %add3A_124], %mul3A_121 : memref<112x96xf32, #tpu.memory_space<vmem>>[vector<16xi32>, vector<16xi32>], vector<16xf32>,
        %max3A = arith.maximumf %broadcast_in_dim3A_107, %mul3A_121 : vector<16xf32>
        %add3A_125 = arith.constant 16 : i32
        %add3A_126 = vector.broadcast %add3A_125 : i32 to vector<16xi32>
        %add3A_127 = arith.addi %add3A_126, %iota3A : vector<16xi32>
        %gather3A_128 = tpu.vector_load_idx %arg16[%broadcast_in_dim3A_102, %add3A_127] : memref<112x128xf32, #tpu.memory_space<vmem>>[vector<16xi32>, vector<16xi32>], vector<16xf32>,
        %neg3A_129 = arith.constant 0.000000e+00 : f32
        %neg3A_130 = vector.broadcast %neg3A_129 : f32 to vector<16xf32>
        %neg3A_131 = arith.subf %neg3A_130, %gather3A_128 : vector<16xf32>
        %exp3A_132 = math.exp %neg3A_131 : vector<16xf32>
        %add3A_133 = arith.constant 1.000000e+00 : f32
        %add3A_134 = vector.broadcast %add3A_133 : f32 to vector<16xf32>
        %add3A_135 = arith.addf %add3A_134, %exp3A_132 : vector<16xf32>
        %div3A_136 = arith.constant 1.000000e+00 : f32
        %div3A_137 = vector.broadcast %div3A_136 : f32 to vector<16xf32>
        %div3A_138 = arith.divf %div3A_137, %add3A_135 : vector<16xf32>
        %mul3A_139 = arith.mulf %exp3A, %div3A_138 : vector<16xf32>
        %add3A_140 = arith.constant 16 : i32
        %add3A_141 = vector.broadcast %add3A_140 : i32 to vector<16xi32>
        %add3A_142 = arith.addi %add3A_141, %iota3A : vector<16xi32>
        tpu.vector_store_idx %arg17[%broadcast_in_dim3A_102, %add3A_142], %mul3A_139 : memref<112x96xf32, #tpu.memory_space<vmem>>[vector<16xi32>, vector<16xi32>], vector<16xf32>,
        %max3A_143 = arith.maximumf %max3A, %mul3A_139 : vector<16xf32>
        %add3A_144 = arith.constant 32 : i32
        %add3A_145 = vector.broadcast %add3A_144 : i32 to vector<16xi32>
        %add3A_146 = arith.addi %add3A_145, %iota3A : vector<16xi32>
        %gather3A_147 = tpu.vector_load_idx %arg16[%broadcast_in_dim3A_102, %add3A_146] : memref<112x128xf32, #tpu.memory_space<vmem>>[vector<16xi32>, vector<16xi32>], vector<16xf32>,
        %neg3A_148 = arith.constant 0.000000e+00 : f32
        %neg3A_149 = vector.broadcast %neg3A_148 : f32 to vector<16xf32>
        %neg3A_150 = arith.subf %neg3A_149, %gather3A_147 : vector<16xf32>
        %exp3A_151 = math.exp %neg3A_150 : vector<16xf32>
        %add3A_152 = arith.constant 1.000000e+00 : f32
        %add3A_153 = vector.broadcast %add3A_152 : f32 to vector<16xf32>
        %add3A_154 = arith.addf %add3A_153, %exp3A_151 : vector<16xf32>
        %div3A_155 = arith.constant 1.000000e+00 : f32
        %div3A_156 = vector.broadcast %div3A_155 : f32 to vector<16xf32>
        %div3A_157 = arith.divf %div3A_156, %add3A_154 : vector<16xf32>
        %mul3A_158 = arith.mulf %exp3A, %div3A_157 : vector<16xf32>
        %add3A_159 = arith.constant 32 : i32
        %add3A_160 = vector.broadcast %add3A_159 : i32 to vector<16xi32>
        %add3A_161 = arith.addi %add3A_160, %iota3A : vector<16xi32>
        tpu.vector_store_idx %arg17[%broadcast_in_dim3A_102, %add3A_161], %mul3A_158 : memref<112x96xf32, #tpu.memory_space<vmem>>[vector<16xi32>, vector<16xi32>], vector<16xf32>,
        %max3A_162 = arith.maximumf %max3A_143, %mul3A_158 : vector<16xf32>
        %add3A_163 = arith.constant 48 : i32
        %add3A_164 = vector.broadcast %add3A_163 : i32 to vector<16xi32>
        %add3A_165 = arith.addi %add3A_164, %iota3A : vector<16xi32>
        %gather3A_166 = tpu.vector_load_idx %arg16[%broadcast_in_dim3A_102, %add3A_165] : memref<112x128xf32, #tpu.memory_space<vmem>>[vector<16xi32>, vector<16xi32>], vector<16xf32>,
        %neg3A_167 = arith.constant 0.000000e+00 : f32
        %neg3A_168 = vector.broadcast %neg3A_167 : f32 to vector<16xf32>
        %neg3A_169 = arith.subf %neg3A_168, %gather3A_166 : vector<16xf32>
        %exp3A_170 = math.exp %neg3A_169 : vector<16xf32>
        %add3A_171 = arith.constant 1.000000e+00 : f32
        %add3A_172 = vector.broadcast %add3A_171 : f32 to vector<16xf32>
        %add3A_173 = arith.addf %add3A_172, %exp3A_170 : vector<16xf32>
        %div3A_174 = arith.constant 1.000000e+00 : f32
        %div3A_175 = vector.broadcast %div3A_174 : f32 to vector<16xf32>
        %div3A_176 = arith.divf %div3A_175, %add3A_173 : vector<16xf32>
        %mul3A_177 = arith.mulf %exp3A, %div3A_176 : vector<16xf32>
        %add3A_178 = arith.constant 48 : i32
        %add3A_179 = vector.broadcast %add3A_178 : i32 to vector<16xi32>
        %add3A_180 = arith.addi %add3A_179, %iota3A : vector<16xi32>
        tpu.vector_store_idx %arg17[%broadcast_in_dim3A_102, %add3A_180], %mul3A_177 : memref<112x96xf32, #tpu.memory_space<vmem>>[vector<16xi32>, vector<16xi32>], vector<16xf32>,
        %max3A_181 = arith.maximumf %max3A_162, %mul3A_177 : vector<16xf32>
        %add3A_182 = arith.constant 64 : i32
        %add3A_183 = vector.broadcast %add3A_182 : i32 to vector<16xi32>
        %add3A_184 = arith.addi %add3A_183, %iota3A : vector<16xi32>
        %gather3A_185 = tpu.vector_load_idx %arg16[%broadcast_in_dim3A_102, %add3A_184] : memref<112x128xf32, #tpu.memory_space<vmem>>[vector<16xi32>, vector<16xi32>], vector<16xf32>,
        %neg3A_186 = arith.constant 0.000000e+00 : f32
        %neg3A_187 = vector.broadcast %neg3A_186 : f32 to vector<16xf32>
        %neg3A_188 = arith.subf %neg3A_187, %gather3A_185 : vector<16xf32>
        %exp3A_189 = math.exp %neg3A_188 : vector<16xf32>
        %add3A_190 = arith.constant 1.000000e+00 : f32
        %add3A_191 = vector.broadcast %add3A_190 : f32 to vector<16xf32>
        %add3A_192 = arith.addf %add3A_191, %exp3A_189 : vector<16xf32>
        %div3A_193 = arith.constant 1.000000e+00 : f32
        %div3A_194 = vector.broadcast %div3A_193 : f32 to vector<16xf32>
        %div3A_195 = arith.divf %div3A_194, %add3A_192 : vector<16xf32>
        %mul3A_196 = arith.mulf %exp3A, %div3A_195 : vector<16xf32>
        %add3A_197 = arith.constant 64 : i32
        %add3A_198 = vector.broadcast %add3A_197 : i32 to vector<16xi32>
        %add3A_199 = arith.addi %add3A_198, %iota3A : vector<16xi32>
        tpu.vector_store_idx %arg17[%broadcast_in_dim3A_102, %add3A_199], %mul3A_196 : memref<112x96xf32, #tpu.memory_space<vmem>>[vector<16xi32>, vector<16xi32>], vector<16xf32>,
        %max3A_200 = arith.maximumf %max3A_181, %mul3A_196 : vector<16xf32>
        %add3A_201 = arith.constant 80 : i32
        %add3A_202 = vector.broadcast %add3A_201 : i32 to vector<16xi32>
        %add3A_203 = arith.addi %add3A_202, %iota3A : vector<16xi32>
        %gather3A_204 = tpu.vector_load_idx %arg16[%broadcast_in_dim3A_102, %add3A_203] : memref<112x128xf32, #tpu.memory_space<vmem>>[vector<16xi32>, vector<16xi32>], vector<16xf32>,
        %neg3A_205 = arith.constant 0.000000e+00 : f32
        %neg3A_206 = vector.broadcast %neg3A_205 : f32 to vector<16xf32>
        %neg3A_207 = arith.subf %neg3A_206, %gather3A_204 : vector<16xf32>
        %exp3A_208 = math.exp %neg3A_207 : vector<16xf32>
        %add3A_209 = arith.constant 1.000000e+00 : f32
        %add3A_210 = vector.broadcast %add3A_209 : f32 to vector<16xf32>
        %add3A_211 = arith.addf %add3A_210, %exp3A_208 : vector<16xf32>
        %div3A_212 = arith.constant 1.000000e+00 : f32
        %div3A_213 = vector.broadcast %div3A_212 : f32 to vector<16xf32>
        %div3A_214 = arith.divf %div3A_213, %add3A_211 : vector<16xf32>
        %mul3A_215 = arith.mulf %exp3A, %div3A_214 : vector<16xf32>
        %add3A_216 = arith.constant 80 : i32
        %add3A_217 = vector.broadcast %add3A_216 : i32 to vector<16xi32>
        %add3A_218 = arith.addi %add3A_217, %iota3A : vector<16xi32>
        %lt3A_219 = arith.constant 81 : i32
        %lt3A_220 = vector.broadcast %lt3A_219 : i32 to vector<16xi32>
        %lt3A_221 = arith.cmpi slt, %add3A_218, %lt3A_220 : vector<16xi32>
        %jit3A = arith.constant -1.000000e+00 : f32
        %broadcast_in_dim3A_222 = vector.broadcast %jit3A : f32 to vector<16xf32>
        %select_n3A = arith.select %lt3A_221, %mul3A_215, %broadcast_in_dim3A_222 : vector<16xi1>, vector<16xf32>
        %add3A_223 = arith.constant 80 : i32
        %add3A_224 = vector.broadcast %add3A_223 : i32 to vector<16xi32>
        %add3A_225 = arith.addi %add3A_224, %iota3A : vector<16xi32>
        tpu.vector_store_idx %arg17[%broadcast_in_dim3A_102, %add3A_225], %select_n3A : memref<112x96xf32, #tpu.memory_space<vmem>>[vector<16xi32>, vector<16xi32>], vector<16xf32>,
        %max3A_226 = arith.maximumf %max3A_200, %select_n3A : vector<16xf32>
        %reduce_max3A = arith.constant true
        %reduce_max3A_227 = vector.broadcast %reduce_max3A : i1 to vector<16xi1>
        %reduce_max3A_228 = tpu.scan <max>, %max3A_226 masked %reduce_max3A_227 : vector<16xf32>, vector<16xi1> -> vector<16xf32>
        %reduce_max3A_229 = vector.extract %reduce_max3A_228[15] : f32 from vector<16xf32>
        %broadcast_in_dim3A_230 = vector.broadcast %reduce_max3A_229 : f32 to vector<16xf32>
        tpu.vector_store_idx %arg14[%broadcast_in_dim3A_102], %broadcast_in_dim3A_230 masked %eq3A_4 : memref<112xf32, #tpu.memory_space<vmem>>[vector<16xi32>], vector<16xf32>, vector<16xi1>
        %scan3A_231 = arith.constant 0 : i32
        scf.yield %scan3A_231 : i32
      }
      %scan3A_65 = arith.constant 100 : i32
      %broadcast_in_dim3A_66 = arith.constant -2.000000e+00 : f32
      %broadcast_in_dim3A_67 = vector.broadcast %broadcast_in_dim3A_66 : f32 to vector<16xf32>
      %scan3A_68 = arith.constant 0 : i32
      %scan3A_69 = arith.constant 7 : i32
      %scan3A_70 = arith.addi %scan3A_68, %scan3A_69 : i32
      %scan3A_71 = arith.constant 1 : i32
      %scan3A_72 = scf.for %scan3A_100 = %scan3A_68 to %scan3A_70 step %scan3A_71 iter_args(%scan3A_101 = %broadcast_in_dim3A_67) -> (vector<16xf32>)  : i32 {
        %mul3A_102 = arith.constant 16 : i32
        %mul3A_103 = arith.muli %scan3A_100, %mul3A_102 : i32
        %add3A_104 = vector.broadcast %mul3A_103 : i32 to vector<16xi32>
        %add3A_105 = arith.addi %add3A_104, %iota3A : vector<16xi32>
        %gather3A = tpu.vector_load_idx %arg14[%add3A_105] : memref<112xf32, #tpu.memory_space<vmem>>[vector<16xi32>], vector<16xf32>,
        %max3A = arith.maximumf %scan3A_101, %gather3A : vector<16xf32>
        scf.yield %max3A : vector<16xf32>
      }
      %scan3A_73 = arith.constant 7 : i32
      %add3A_74 = arith.constant 96 : i32
      %add3A_75 = vector.broadcast %add3A_74 : i32 to vector<16xi32>
      %add3A_76 = arith.addi %add3A_75, %iota3A : vector<16xi32>
      %broadcast_in_dim3A_77 = arith.constant 0 : i32
      %broadcast_in_dim3A_78 = vector.broadcast %broadcast_in_dim3A_77 : i32 to vector<16xi32>
      tpu.vector_store_idx %arg18[%add3A_76], %broadcast_in_dim3A_78 : memref<112xi32, #tpu.memory_space<vmem>>[vector<16xi32>], vector<16xi32>,
      %scan3A_79 = arith.constant 0 : i32
      %scan3A_80 = arith.constant 100 : i32
      %scan3A_81 = arith.addi %scan3A_79, %scan3A_80 : i32
      %scan3A_82 = arith.constant 1 : i32
      %scan3A_83 = scf.for %scan3A_100 = %scan3A_79 to %scan3A_81 step %scan3A_82 iter_args(%scan3A_101 = %scan3A_72) -> (vector<16xf32>)  : i32 {
        %reduce_max3A = arith.constant true
        %reduce_max3A_102 = vector.broadcast %reduce_max3A : i1 to vector<16xi1>
        %reduce_max3A_103 = tpu.scan <max>, %scan3A_101 masked %reduce_max3A_102 : vector<16xf32>, vector<16xi1> -> vector<16xf32>
        %reduce_max3A_104 = vector.extract %reduce_max3A_103[15] : f32 from vector<16xf32>
        %eq3A_105 = vector.broadcast %reduce_max3A_104 : f32 to vector<16xf32>
        %eq3A_106 = arith.cmpf oeq, %scan3A_101, %eq3A_105 : vector<16xf32>
        %jit3A = arith.constant 1048576 : i32
        %broadcast_in_dim3A_107 = vector.broadcast %jit3A : i32 to vector<16xi32>
        %select_n3A = arith.select %eq3A_106, %iota3A, %broadcast_in_dim3A_107 : vector<16xi1>, vector<16xi32>
        %reduce_min3A = arith.constant true
        %reduce_min3A_108 = vector.broadcast %reduce_min3A : i1 to vector<16xi1>
        %reduce_min3A_109 = arith.constant -2147483648 : i32
        %reduce_min3A_110 = vector.broadcast %reduce_min3A_109 : i32 to vector<16xi32>
        %reduce_min3A_111 = arith.xori %select_n3A, %reduce_min3A_110 : vector<16xi32>
        %reduce_min3A_112 = tpu.scan <min>, %reduce_min3A_111 masked %reduce_min3A_108 : vector<16xi32>, vector<16xi1> -> vector<16xi32>
        %reduce_min3A_113 = arith.xori %reduce_min3A_112, %reduce_min3A_110 : vector<16xi32>
        %reduce_min3A_114 = vector.extract %reduce_min3A_113[15] : i32 from vector<16xi32>
        %lt3A_115 = arith.constant 7 : i32
        %lt3A_116 = vector.broadcast %lt3A_115 : i32 to vector<16xi32>
        %lt3A_117 = arith.cmpi slt, %iota3A, %lt3A_116 : vector<16xi32>
        %mul3A_118 = arith.constant 16 : i32
        %mul3A_119 = vector.broadcast %mul3A_118 : i32 to vector<16xi32>
        %mul3A_120 = arith.muli %iota3A, %mul3A_119 : vector<16xi32>
        %add3A_121 = vector.broadcast %reduce_min3A_114 : i32 to vector<16xi32>
        %add3A_122 = arith.addi %mul3A_120, %add3A_121 : vector<16xi32>
        %jit3A_123 = arith.constant 0 : i32
        %broadcast_in_dim3A_124 = vector.broadcast %jit3A_123 : i32 to vector<16xi32>
        %select_n3A_125 = arith.select %lt3A_117, %add3A_122, %broadcast_in_dim3A_124 : vector<16xi1>, vector<16xi32>
        %gather3A = tpu.vector_load_idx %arg14[%select_n3A_125] : memref<112xf32, #tpu.memory_space<vmem>>[vector<16xi32>], vector<16xf32>,
        %jit3A_126 = arith.constant -2.000000e+00 : f32
        %broadcast_in_dim3A_127 = vector.broadcast %jit3A_126 : f32 to vector<16xf32>
        %select_n3A_128 = arith.select %lt3A_117, %gather3A, %broadcast_in_dim3A_127 : vector<16xi1>, vector<16xf32>
        %eq3A_129 = vector.broadcast %reduce_max3A_104 : f32 to vector<16xf32>
        %eq3A_130 = arith.cmpf oeq, %select_n3A_128, %eq3A_129 : vector<16xf32>
        %jit3A_131 = arith.constant 1048576 : i32
        %broadcast_in_dim3A_132 = vector.broadcast %jit3A_131 : i32 to vector<16xi32>
        %select_n3A_133 = arith.select %eq3A_130, %iota3A, %broadcast_in_dim3A_132 : vector<16xi1>, vector<16xi32>
        %reduce_min3A_134 = arith.constant true
        %reduce_min3A_135 = vector.broadcast %reduce_min3A_134 : i1 to vector<16xi1>
        %reduce_min3A_136 = arith.constant -2147483648 : i32
        %reduce_min3A_137 = vector.broadcast %reduce_min3A_136 : i32 to vector<16xi32>
        %reduce_min3A_138 = arith.xori %select_n3A_133, %reduce_min3A_137 : vector<16xi32>
        %reduce_min3A_139 = tpu.scan <min>, %reduce_min3A_138 masked %reduce_min3A_135 : vector<16xi32>, vector<16xi1> -> vector<16xi32>
        %reduce_min3A_140 = arith.xori %reduce_min3A_139, %reduce_min3A_137 : vector<16xi32>
        %reduce_min3A_141 = vector.extract %reduce_min3A_140[15] : i32 from vector<16xi32>
        %mul3A_142 = arith.constant 16 : i32
        %mul3A_143 = arith.muli %reduce_min3A_141, %mul3A_142 : i32
        %add3A_144 = arith.addi %mul3A_143, %reduce_min3A_114 : i32
        %broadcast_in_dim3A_145 = vector.broadcast %add3A_144 : i32 to vector<16xi32>
        %add3A_146 = arith.constant 0 : i32
        %add3A_147 = vector.broadcast %add3A_146 : i32 to vector<16xi32>
        %add3A_148 = arith.addi %add3A_147, %iota3A : vector<16xi32>
        %gather3A_149 = tpu.vector_load_idx %arg17[%broadcast_in_dim3A_145, %add3A_148] : memref<112x96xf32, #tpu.memory_space<vmem>>[vector<16xi32>, vector<16xi32>], vector<16xf32>,
        %eq3A_150 = vector.broadcast %reduce_max3A_104 : f32 to vector<16xf32>
        %eq3A_151 = arith.cmpf oeq, %gather3A_149, %eq3A_150 : vector<16xf32>
        %add3A_152 = arith.constant 0 : i32
        %add3A_153 = vector.broadcast %add3A_152 : i32 to vector<16xi32>
        %add3A_154 = arith.addi %add3A_153, %iota3A : vector<16xi32>
        %jit3A_155 = arith.constant 1048576 : i32
        %broadcast_in_dim3A_156 = vector.broadcast %jit3A_155 : i32 to vector<16xi32>
        %select_n3A_157 = arith.select %eq3A_151, %add3A_154, %broadcast_in_dim3A_156 : vector<16xi1>, vector<16xi32>
        %reduce_min3A_158 = arith.constant true
        %reduce_min3A_159 = vector.broadcast %reduce_min3A_158 : i1 to vector<16xi1>
        %reduce_min3A_160 = arith.constant -2147483648 : i32
        %reduce_min3A_161 = vector.broadcast %reduce_min3A_160 : i32 to vector<16xi32>
        %reduce_min3A_162 = arith.xori %select_n3A_157, %reduce_min3A_161 : vector<16xi32>
        %reduce_min3A_163 = tpu.scan <min>, %reduce_min3A_162 masked %reduce_min3A_159 : vector<16xi32>, vector<16xi1> -> vector<16xi32>
        %reduce_min3A_164 = arith.xori %reduce_min3A_163, %reduce_min3A_161 : vector<16xi32>
        %reduce_min3A_165 = vector.extract %reduce_min3A_164[15] : i32 from vector<16xi32>
        %min3A = arith.constant 1048576 : i32
        %min3A_166 = arith.minsi %min3A, %reduce_min3A_165 : i32
        %add3A_167 = arith.constant 16 : i32
        %add3A_168 = vector.broadcast %add3A_167 : i32 to vector<16xi32>
        %add3A_169 = arith.addi %add3A_168, %iota3A : vector<16xi32>
        %gather3A_170 = tpu.vector_load_idx %arg17[%broadcast_in_dim3A_145, %add3A_169] : memref<112x96xf32, #tpu.memory_space<vmem>>[vector<16xi32>, vector<16xi32>], vector<16xf32>,
        %eq3A_171 = vector.broadcast %reduce_max3A_104 : f32 to vector<16xf32>
        %eq3A_172 = arith.cmpf oeq, %gather3A_170, %eq3A_171 : vector<16xf32>
        %add3A_173 = arith.constant 16 : i32
        %add3A_174 = vector.broadcast %add3A_173 : i32 to vector<16xi32>
        %add3A_175 = arith.addi %add3A_174, %iota3A : vector<16xi32>
        %jit3A_176 = arith.constant 1048576 : i32
        %broadcast_in_dim3A_177 = vector.broadcast %jit3A_176 : i32 to vector<16xi32>
        %select_n3A_178 = arith.select %eq3A_172, %add3A_175, %broadcast_in_dim3A_177 : vector<16xi1>, vector<16xi32>
        %reduce_min3A_179 = arith.constant true
        %reduce_min3A_180 = vector.broadcast %reduce_min3A_179 : i1 to vector<16xi1>
        %reduce_min3A_181 = arith.constant -2147483648 : i32
        %reduce_min3A_182 = vector.broadcast %reduce_min3A_181 : i32 to vector<16xi32>
        %reduce_min3A_183 = arith.xori %select_n3A_178, %reduce_min3A_182 : vector<16xi32>
        %reduce_min3A_184 = tpu.scan <min>, %reduce_min3A_183 masked %reduce_min3A_180 : vector<16xi32>, vector<16xi1> -> vector<16xi32>
        %reduce_min3A_185 = arith.xori %reduce_min3A_184, %reduce_min3A_182 : vector<16xi32>
        %reduce_min3A_186 = vector.extract %reduce_min3A_185[15] : i32 from vector<16xi32>
        %min3A_187 = arith.minsi %min3A_166, %reduce_min3A_186 : i32
        %add3A_188 = arith.constant 32 : i32
        %add3A_189 = vector.broadcast %add3A_188 : i32 to vector<16xi32>
        %add3A_190 = arith.addi %add3A_189, %iota3A : vector<16xi32>
        %gather3A_191 = tpu.vector_load_idx %arg17[%broadcast_in_dim3A_145, %add3A_190] : memref<112x96xf32, #tpu.memory_space<vmem>>[vector<16xi32>, vector<16xi32>], vector<16xf32>,
        %eq3A_192 = vector.broadcast %reduce_max3A_104 : f32 to vector<16xf32>
        %eq3A_193 = arith.cmpf oeq, %gather3A_191, %eq3A_192 : vector<16xf32>
        %add3A_194 = arith.constant 32 : i32
        %add3A_195 = vector.broadcast %add3A_194 : i32 to vector<16xi32>
        %add3A_196 = arith.addi %add3A_195, %iota3A : vector<16xi32>
        %jit3A_197 = arith.constant 1048576 : i32
        %broadcast_in_dim3A_198 = vector.broadcast %jit3A_197 : i32 to vector<16xi32>
        %select_n3A_199 = arith.select %eq3A_193, %add3A_196, %broadcast_in_dim3A_198 : vector<16xi1>, vector<16xi32>
        %reduce_min3A_200 = arith.constant true
        %reduce_min3A_201 = vector.broadcast %reduce_min3A_200 : i1 to vector<16xi1>
        %reduce_min3A_202 = arith.constant -2147483648 : i32
        %reduce_min3A_203 = vector.broadcast %reduce_min3A_202 : i32 to vector<16xi32>
        %reduce_min3A_204 = arith.xori %select_n3A_199, %reduce_min3A_203 : vector<16xi32>
        %reduce_min3A_205 = tpu.scan <min>, %reduce_min3A_204 masked %reduce_min3A_201 : vector<16xi32>, vector<16xi1> -> vector<16xi32>
        %reduce_min3A_206 = arith.xori %reduce_min3A_205, %reduce_min3A_203 : vector<16xi32>
        %reduce_min3A_207 = vector.extract %reduce_min3A_206[15] : i32 from vector<16xi32>
        %min3A_208 = arith.minsi %min3A_187, %reduce_min3A_207 : i32
        %add3A_209 = arith.constant 48 : i32
        %add3A_210 = vector.broadcast %add3A_209 : i32 to vector<16xi32>
        %add3A_211 = arith.addi %add3A_210, %iota3A : vector<16xi32>
        %gather3A_212 = tpu.vector_load_idx %arg17[%broadcast_in_dim3A_145, %add3A_211] : memref<112x96xf32, #tpu.memory_space<vmem>>[vector<16xi32>, vector<16xi32>], vector<16xf32>,
        %eq3A_213 = vector.broadcast %reduce_max3A_104 : f32 to vector<16xf32>
        %eq3A_214 = arith.cmpf oeq, %gather3A_212, %eq3A_213 : vector<16xf32>
        %add3A_215 = arith.constant 48 : i32
        %add3A_216 = vector.broadcast %add3A_215 : i32 to vector<16xi32>
        %add3A_217 = arith.addi %add3A_216, %iota3A : vector<16xi32>
        %jit3A_218 = arith.constant 1048576 : i32
        %broadcast_in_dim3A_219 = vector.broadcast %jit3A_218 : i32 to vector<16xi32>
        %select_n3A_220 = arith.select %eq3A_214, %add3A_217, %broadcast_in_dim3A_219 : vector<16xi1>, vector<16xi32>
        %reduce_min3A_221 = arith.constant true
        %reduce_min3A_222 = vector.broadcast %reduce_min3A_221 : i1 to vector<16xi1>
        %reduce_min3A_223 = arith.constant -2147483648 : i32
        %reduce_min3A_224 = vector.broadcast %reduce_min3A_223 : i32 to vector<16xi32>
        %reduce_min3A_225 = arith.xori %select_n3A_220, %reduce_min3A_224 : vector<16xi32>
        %reduce_min3A_226 = tpu.scan <min>, %reduce_min3A_225 masked %reduce_min3A_222 : vector<16xi32>, vector<16xi1> -> vector<16xi32>
        %reduce_min3A_227 = arith.xori %reduce_min3A_226, %reduce_min3A_224 : vector<16xi32>
        %reduce_min3A_228 = vector.extract %reduce_min3A_227[15] : i32 from vector<16xi32>
        %min3A_229 = arith.minsi %min3A_208, %reduce_min3A_228 : i32
        %add3A_230 = arith.constant 64 : i32
        %add3A_231 = vector.broadcast %add3A_230 : i32 to vector<16xi32>
        %add3A_232 = arith.addi %add3A_231, %iota3A : vector<16xi32>
        %gather3A_233 = tpu.vector_load_idx %arg17[%broadcast_in_dim3A_145, %add3A_232] : memref<112x96xf32, #tpu.memory_space<vmem>>[vector<16xi32>, vector<16xi32>], vector<16xf32>,
        %eq3A_234 = vector.broadcast %reduce_max3A_104 : f32 to vector<16xf32>
        %eq3A_235 = arith.cmpf oeq, %gather3A_233, %eq3A_234 : vector<16xf32>
        %add3A_236 = arith.constant 64 : i32
        %add3A_237 = vector.broadcast %add3A_236 : i32 to vector<16xi32>
        %add3A_238 = arith.addi %add3A_237, %iota3A : vector<16xi32>
        %jit3A_239 = arith.constant 1048576 : i32
        %broadcast_in_dim3A_240 = vector.broadcast %jit3A_239 : i32 to vector<16xi32>
        %select_n3A_241 = arith.select %eq3A_235, %add3A_238, %broadcast_in_dim3A_240 : vector<16xi1>, vector<16xi32>
        %reduce_min3A_242 = arith.constant true
        %reduce_min3A_243 = vector.broadcast %reduce_min3A_242 : i1 to vector<16xi1>
        %reduce_min3A_244 = arith.constant -2147483648 : i32
        %reduce_min3A_245 = vector.broadcast %reduce_min3A_244 : i32 to vector<16xi32>
        %reduce_min3A_246 = arith.xori %select_n3A_241, %reduce_min3A_245 : vector<16xi32>
        %reduce_min3A_247 = tpu.scan <min>, %reduce_min3A_246 masked %reduce_min3A_243 : vector<16xi32>, vector<16xi1> -> vector<16xi32>
        %reduce_min3A_248 = arith.xori %reduce_min3A_247, %reduce_min3A_245 : vector<16xi32>
        %reduce_min3A_249 = vector.extract %reduce_min3A_248[15] : i32 from vector<16xi32>
        %min3A_250 = arith.minsi %min3A_229, %reduce_min3A_249 : i32
        %add3A_251 = arith.constant 80 : i32
        %add3A_252 = vector.broadcast %add3A_251 : i32 to vector<16xi32>
        %add3A_253 = arith.addi %add3A_252, %iota3A : vector<16xi32>
        %gather3A_254 = tpu.vector_load_idx %arg17[%broadcast_in_dim3A_145, %add3A_253] : memref<112x96xf32, #tpu.memory_space<vmem>>[vector<16xi32>, vector<16xi32>], vector<16xf32>,
        %eq3A_255 = vector.broadcast %reduce_max3A_104 : f32 to vector<16xf32>
        %eq3A_256 = arith.cmpf oeq, %gather3A_254, %eq3A_255 : vector<16xf32>
        %add3A_257 = arith.constant 80 : i32
        %add3A_258 = vector.broadcast %add3A_257 : i32 to vector<16xi32>
        %add3A_259 = arith.addi %add3A_258, %iota3A : vector<16xi32>
        %jit3A_260 = arith.constant 1048576 : i32
        %broadcast_in_dim3A_261 = vector.broadcast %jit3A_260 : i32 to vector<16xi32>
        %select_n3A_262 = arith.select %eq3A_256, %add3A_259, %broadcast_in_dim3A_261 : vector<16xi1>, vector<16xi32>
        %reduce_min3A_263 = arith.constant true
        %reduce_min3A_264 = vector.broadcast %reduce_min3A_263 : i1 to vector<16xi1>
        %reduce_min3A_265 = arith.constant -2147483648 : i32
        %reduce_min3A_266 = vector.broadcast %reduce_min3A_265 : i32 to vector<16xi32>
        %reduce_min3A_267 = arith.xori %select_n3A_262, %reduce_min3A_266 : vector<16xi32>
        %reduce_min3A_268 = tpu.scan <min>, %reduce_min3A_267 masked %reduce_min3A_264 : vector<16xi32>, vector<16xi1> -> vector<16xi32>
        %reduce_min3A_269 = arith.xori %reduce_min3A_268, %reduce_min3A_266 : vector<16xi32>
        %reduce_min3A_270 = vector.extract %reduce_min3A_269[15] : i32 from vector<16xi32>
        %min3A_271 = arith.minsi %min3A_250, %reduce_min3A_270 : i32
        %add3A_272 = arith.constant 0 : i32
        %add3A_273 = vector.broadcast %add3A_272 : i32 to vector<16xi32>
        %add3A_274 = arith.addi %add3A_273, %iota3A : vector<16xi32>
        %eq3A_275 = vector.broadcast %min3A_271 : i32 to vector<16xi32>
        %eq3A_276 = arith.cmpi eq, %add3A_274, %eq3A_275 : vector<16xi32>
        %jit3A_277 = arith.constant -1.000000e+00 : f32
        %broadcast_in_dim3A_278 = vector.broadcast %jit3A_277 : f32 to vector<16xf32>
        %select_n3A_279 = arith.select %eq3A_276, %broadcast_in_dim3A_278, %gather3A_149 : vector<16xi1>, vector<16xf32>
        %reduce_max3A_280 = arith.constant true
        %reduce_max3A_281 = vector.broadcast %reduce_max3A_280 : i1 to vector<16xi1>
        %reduce_max3A_282 = tpu.scan <max>, %select_n3A_279 masked %reduce_max3A_281 : vector<16xf32>, vector<16xi1> -> vector<16xf32>
        %reduce_max3A_283 = vector.extract %reduce_max3A_282[15] : f32 from vector<16xf32>
        %max3A = arith.constant -2.000000e+00 : f32
        %max3A_284 = arith.maximumf %max3A, %reduce_max3A_283 : f32
        %add3A_285 = arith.constant 16 : i32
        %add3A_286 = vector.broadcast %add3A_285 : i32 to vector<16xi32>
        %add3A_287 = arith.addi %add3A_286, %iota3A : vector<16xi32>
        %eq3A_288 = vector.broadcast %min3A_271 : i32 to vector<16xi32>
        %eq3A_289 = arith.cmpi eq, %add3A_287, %eq3A_288 : vector<16xi32>
        %jit3A_290 = arith.constant -1.000000e+00 : f32
        %broadcast_in_dim3A_291 = vector.broadcast %jit3A_290 : f32 to vector<16xf32>
        %select_n3A_292 = arith.select %eq3A_289, %broadcast_in_dim3A_291, %gather3A_170 : vector<16xi1>, vector<16xf32>
        %reduce_max3A_293 = arith.constant true
        %reduce_max3A_294 = vector.broadcast %reduce_max3A_293 : i1 to vector<16xi1>
        %reduce_max3A_295 = tpu.scan <max>, %select_n3A_292 masked %reduce_max3A_294 : vector<16xf32>, vector<16xi1> -> vector<16xf32>
        %reduce_max3A_296 = vector.extract %reduce_max3A_295[15] : f32 from vector<16xf32>
        %max3A_297 = arith.maximumf %max3A_284, %reduce_max3A_296 : f32
        %add3A_298 = arith.constant 32 : i32
        %add3A_299 = vector.broadcast %add3A_298 : i32 to vector<16xi32>
        %add3A_300 = arith.addi %add3A_299, %iota3A : vector<16xi32>
        %eq3A_301 = vector.broadcast %min3A_271 : i32 to vector<16xi32>
        %eq3A_302 = arith.cmpi eq, %add3A_300, %eq3A_301 : vector<16xi32>
        %jit3A_303 = arith.constant -1.000000e+00 : f32
        %broadcast_in_dim3A_304 = vector.broadcast %jit3A_303 : f32 to vector<16xf32>
        %select_n3A_305 = arith.select %eq3A_302, %broadcast_in_dim3A_304, %gather3A_191 : vector<16xi1>, vector<16xf32>
        %reduce_max3A_306 = arith.constant true
        %reduce_max3A_307 = vector.broadcast %reduce_max3A_306 : i1 to vector<16xi1>
        %reduce_max3A_308 = tpu.scan <max>, %select_n3A_305 masked %reduce_max3A_307 : vector<16xf32>, vector<16xi1> -> vector<16xf32>
        %reduce_max3A_309 = vector.extract %reduce_max3A_308[15] : f32 from vector<16xf32>
        %max3A_310 = arith.maximumf %max3A_297, %reduce_max3A_309 : f32
        %add3A_311 = arith.constant 48 : i32
        %add3A_312 = vector.broadcast %add3A_311 : i32 to vector<16xi32>
        %add3A_313 = arith.addi %add3A_312, %iota3A : vector<16xi32>
        %eq3A_314 = vector.broadcast %min3A_271 : i32 to vector<16xi32>
        %eq3A_315 = arith.cmpi eq, %add3A_313, %eq3A_314 : vector<16xi32>
        %jit3A_316 = arith.constant -1.000000e+00 : f32
        %broadcast_in_dim3A_317 = vector.broadcast %jit3A_316 : f32 to vector<16xf32>
        %select_n3A_318 = arith.select %eq3A_315, %broadcast_in_dim3A_317, %gather3A_212 : vector<16xi1>, vector<16xf32>
        %reduce_max3A_319 = arith.constant true
        %reduce_max3A_320 = vector.broadcast %reduce_max3A_319 : i1 to vector<16xi1>
        %reduce_max3A_321 = tpu.scan <max>, %select_n3A_318 masked %reduce_max3A_320 : vector<16xf32>, vector<16xi1> -> vector<16xf32>
        %reduce_max3A_322 = vector.extract %reduce_max3A_321[15] : f32 from vector<16xf32>
        %max3A_323 = arith.maximumf %max3A_310, %reduce_max3A_322 : f32
        %add3A_324 = arith.constant 64 : i32
        %add3A_325 = vector.broadcast %add3A_324 : i32 to vector<16xi32>
        %add3A_326 = arith.addi %add3A_325, %iota3A : vector<16xi32>
        %eq3A_327 = vector.broadcast %min3A_271 : i32 to vector<16xi32>
        %eq3A_328 = arith.cmpi eq, %add3A_326, %eq3A_327 : vector<16xi32>
        %jit3A_329 = arith.constant -1.000000e+00 : f32
        %broadcast_in_dim3A_330 = vector.broadcast %jit3A_329 : f32 to vector<16xf32>
        %select_n3A_331 = arith.select %eq3A_328, %broadcast_in_dim3A_330, %gather3A_233 : vector<16xi1>, vector<16xf32>
        %reduce_max3A_332 = arith.constant true
        %reduce_max3A_333 = vector.broadcast %reduce_max3A_332 : i1 to vector<16xi1>
        %reduce_max3A_334 = tpu.scan <max>, %select_n3A_331 masked %reduce_max3A_333 : vector<16xf32>, vector<16xi1> -> vector<16xf32>
        %reduce_max3A_335 = vector.extract %reduce_max3A_334[15] : f32 from vector<16xf32>
        %max3A_336 = arith.maximumf %max3A_323, %reduce_max3A_335 : f32
        %add3A_337 = arith.constant 80 : i32
        %add3A_338 = vector.broadcast %add3A_337 : i32 to vector<16xi32>
        %add3A_339 = arith.addi %add3A_338, %iota3A : vector<16xi32>
        %eq3A_340 = vector.broadcast %min3A_271 : i32 to vector<16xi32>
        %eq3A_341 = arith.cmpi eq, %add3A_339, %eq3A_340 : vector<16xi32>
        %jit3A_342 = arith.constant -1.000000e+00 : f32
        %broadcast_in_dim3A_343 = vector.broadcast %jit3A_342 : f32 to vector<16xf32>
        %select_n3A_344 = arith.select %eq3A_341, %broadcast_in_dim3A_343, %gather3A_254 : vector<16xi1>, vector<16xf32>
        %reduce_max3A_345 = arith.constant true
        %reduce_max3A_346 = vector.broadcast %reduce_max3A_345 : i1 to vector<16xi1>
        %reduce_max3A_347 = tpu.scan <max>, %select_n3A_344 masked %reduce_max3A_346 : vector<16xf32>, vector<16xi1> -> vector<16xf32>
        %reduce_max3A_348 = vector.extract %reduce_max3A_347[15] : f32 from vector<16xf32>
        %max3A_349 = arith.maximumf %max3A_336, %reduce_max3A_348 : f32
        %broadcast_in_dim3A_350 = vector.broadcast %min3A_271 : i32 to vector<16xi32>
        %broadcast_in_dim3A_351 = arith.constant -1.000000e+00 : f32
        %broadcast_in_dim3A_352 = vector.broadcast %broadcast_in_dim3A_351 : f32 to vector<16xf32>
        tpu.vector_store_idx %arg17[%broadcast_in_dim3A_145, %broadcast_in_dim3A_350], %broadcast_in_dim3A_352 masked %eq3A_4 : memref<112x96xf32, #tpu.memory_space<vmem>>[vector<16xi32>, vector<16xi32>], vector<16xf32>, vector<16xi1>
        %broadcast_in_dim3A_353 = vector.broadcast %max3A_349 : f32 to vector<16xf32>
        tpu.vector_store_idx %arg14[%broadcast_in_dim3A_145], %broadcast_in_dim3A_353 masked %eq3A_4 : memref<112xf32, #tpu.memory_space<vmem>>[vector<16xi32>], vector<16xf32>, vector<16xi1>
        %broadcast_in_dim3A_354 = vector.broadcast %scan3A_100 : i32 to vector<16xi32>
        %broadcast_in_dim3A_355 = vector.broadcast %reduce_max3A_104 : f32 to vector<16xf32>
        tpu.vector_store_idx %arg19[%broadcast_in_dim3A_354], %broadcast_in_dim3A_355 masked %eq3A_4 : memref<112xf32, #tpu.memory_space<vmem>>[vector<16xi32>], vector<16xf32>, vector<16xi1>
        %broadcast_in_dim3A_356 = vector.broadcast %min3A_271 : i32 to vector<16xi32>
        tpu.vector_store_idx %arg20[%broadcast_in_dim3A_354], %broadcast_in_dim3A_356 masked %eq3A_4 : memref<112xi32, #tpu.memory_space<vmem>>[vector<16xi32>], vector<16xi32>, vector<16xi1>
        %gather3A_357 = tpu.vector_load_idx %arg13[%broadcast_in_dim3A_145] : memref<112xi32, #tpu.memory_space<vmem>>[vector<16xi32>], vector<16xi32>,
        tpu.vector_store_idx %arg18[%broadcast_in_dim3A_354], %gather3A_357 masked %eq3A_4 : memref<112xi32, #tpu.memory_space<vmem>>[vector<16xi32>], vector<16xi32>, vector<16xi1>
        %eq3A_358 = vector.broadcast %reduce_min3A_141 : i32 to vector<16xi32>
        %eq3A_359 = arith.cmpi eq, %iota3A, %eq3A_358 : vector<16xi32>
        %broadcast_in_dim3A_360 = vector.broadcast %max3A_349 : f32 to vector<16xf32>
        %select_n3A_361 = arith.select %eq3A_359, %broadcast_in_dim3A_360, %select_n3A_128 : vector<16xi1>, vector<16xf32>
        %eq3A_362 = vector.broadcast %reduce_min3A_114 : i32 to vector<16xi32>
        %eq3A_363 = arith.cmpi eq, %iota3A, %eq3A_362 : vector<16xi32>
        %reduce_max3A_364 = arith.constant true
        %reduce_max3A_365 = vector.broadcast %reduce_max3A_364 : i1 to vector<16xi1>
        %reduce_max3A_366 = tpu.scan <max>, %select_n3A_361 masked %reduce_max3A_365 : vector<16xf32>, vector<16xi1> -> vector<16xf32>
        %reduce_max3A_367 = vector.extract %reduce_max3A_366[15] : f32 from vector<16xf32>
        %broadcast_in_dim3A_368 = vector.broadcast %reduce_max3A_367 : f32 to vector<16xf32>
        %select_n3A_369 = arith.select %eq3A_363, %broadcast_in_dim3A_368, %scan3A_101 : vector<16xi1>, vector<16xf32>
        scf.yield %select_n3A_369 : vector<16xf32>
      }
      %scan3A_84 = arith.constant 100 : i32
      %scan3A_85 = arith.constant 0 : i32
      %scan3A_86 = arith.constant 0 : i32
      %scan3A_87 = arith.constant 28 : i32
      %scan3A_88 = arith.addi %scan3A_86, %scan3A_87 : i32
      %scan3A_89 = arith.constant 1 : i32
      %scan3A_90 = scf.for %scan3A_100 = %scan3A_86 to %scan3A_88 step %scan3A_89 iter_args(%scan3A_101 = %scan3A_85) -> (i32)  : i32 {
        %mul3A_102 = arith.constant 16 : i32
        %mul3A_103 = arith.muli %scan3A_100, %mul3A_102 : i32
        %add3A_104 = vector.broadcast %mul3A_103 : i32 to vector<16xi32>
        %add3A_105 = arith.addi %add3A_104, %iota3A : vector<16xi32>
        %shift_right_arithmetic3A = arith.constant 2 : i32
        %shift_right_arithmetic3A_106 = vector.broadcast %shift_right_arithmetic3A : i32 to vector<16xi32>
        %shift_right_arithmetic3A_107 = arith.shrsi %add3A_105, %shift_right_arithmetic3A_106 : vector<16xi32>
        %and3A = arith.constant 3 : i32
        %and3A_108 = vector.broadcast %and3A : i32 to vector<16xi32>
        %and3A_109 = arith.andi %add3A_105, %and3A_108 : vector<16xi32>
        %gather3A = tpu.vector_load_idx %arg18[%shift_right_arithmetic3A_107] : memref<112xi32, #tpu.memory_space<vmem>>[vector<16xi32>], vector<16xi32>,
        %mul3A_110 = arith.constant 4 : i32
        %mul3A_111 = vector.broadcast %mul3A_110 : i32 to vector<16xi32>
        %mul3A_112 = arith.muli %gather3A, %mul3A_111 : vector<16xi32>
        %and3A_113 = arith.constant 1 : i32
        %and3A_114 = vector.broadcast %and3A_113 : i32 to vector<16xi32>
        %and3A_115 = arith.andi %and3A_109, %and3A_114 : vector<16xi32>
        %add3A_116 = arith.addi %mul3A_112, %and3A_115 : vector<16xi32>
        %gather3A_117 = tpu.vector_load_idx %arg22[%add3A_116] : memref<20000xf32, #tpu.memory_space<vmem>>[vector<16xi32>], vector<16xf32>,
        %mul3A_118 = arith.constant 4 : i32
        %mul3A_119 = vector.broadcast %mul3A_118 : i32 to vector<16xi32>
        %mul3A_120 = arith.muli %gather3A, %mul3A_119 : vector<16xi32>
        %add3A_121 = arith.constant 2 : i32
        %add3A_122 = vector.broadcast %add3A_121 : i32 to vector<16xi32>
        %add3A_123 = arith.addi %mul3A_120, %add3A_122 : vector<16xi32>
        %and3A_124 = arith.constant 1 : i32
        %and3A_125 = vector.broadcast %and3A_124 : i32 to vector<16xi32>
        %and3A_126 = arith.andi %and3A_109, %and3A_125 : vector<16xi32>
        %add3A_127 = arith.addi %add3A_123, %and3A_126 : vector<16xi32>
        %gather3A_128 = tpu.vector_load_idx %arg22[%add3A_127] : memref<20000xf32, #tpu.memory_space<vmem>>[vector<16xi32>], vector<16xf32>,
        %lt3A_129 = arith.constant 2 : i32
        %lt3A_130 = vector.broadcast %lt3A_129 : i32 to vector<16xi32>
        %lt3A_131 = arith.cmpi slt, %and3A_109, %lt3A_130 : vector<16xi32>
        %jit3A = arith.constant -5.000000e-01 : f32
        %jit3A_132 = arith.constant 5.000000e-01 : f32
        %broadcast_in_dim3A_133 = vector.broadcast %jit3A : f32 to vector<16xf32>
        %broadcast_in_dim3A_134 = vector.broadcast %jit3A_132 : f32 to vector<16xf32>
        %select_n3A = arith.select %lt3A_131, %broadcast_in_dim3A_133, %broadcast_in_dim3A_134 : vector<16xi1>, vector<16xf32>
        %gather3A_135 = tpu.vector_load_idx %arg23[%and3A_109] : memref<16xf32, #tpu.memory_space<vmem>>[vector<16xi32>], vector<16xf32>,
        %mul3A_136 = arith.mulf %select_n3A, %gather3A_128 : vector<16xf32>
        %add3A_137 = arith.addf %gather3A_117, %mul3A_136 : vector<16xf32>
        %mul3A_138 = arith.mulf %add3A_137, %gather3A_135 : vector<16xf32>
        tpu.vector_store_idx %arg21[%add3A_105], %mul3A_138 : memref<448xf32, #tpu.memory_space<vmem>>[vector<16xi32>], vector<16xf32>,
        %scan3A_139 = arith.constant 0 : i32
        scf.yield %scan3A_139 : i32
      }
      %scan3A_91 = arith.constant 28 : i32
      %mul3A_92 = arith.constant 112 : i32
      %mul3A_93 = arith.muli %add3A, %mul3A_92 : i32
      "tpu.region"() ({
        %run_scoped3A = tpu.sem_alloc : memref<!tpu.dma_semaphore, #tpu.memory_space<semaphore_mem>>
        %dma_start3A_100 = tpu.memref_slice %arg7[%mul3A_93] : memref<896xf32, #tpu.memory_space<hbm>> -> memref<112xf32, #tpu.memory_space<hbm>>
        %dma_start3A_101 = tpu.memref_slice %arg7[%mul3A_93] : memref<896xf32, #tpu.memory_space<hbm>> -> memref<112xf32, #tpu.memory_space<hbm>>
        tpu.enqueue_dma source(%arg19 : memref<112xf32, #tpu.memory_space<vmem>>) target(%dma_start3A_101 : memref<112xf32, #tpu.memory_space<hbm>>) target_semaphore(%run_scoped3A : memref<!tpu.dma_semaphore, #tpu.memory_space<semaphore_mem>>)
        %dma_wait3A_102 = tpu.memref_slice %arg7[%mul3A_93] : memref<896xf32, #tpu.memory_space<hbm>> -> memref<112xf32, #tpu.memory_space<hbm>>
        %dma_wait3A_103 = tpu.memref_slice %arg7[%mul3A_93] : memref<896xf32, #tpu.memory_space<hbm>> -> memref<112xf32, #tpu.memory_space<hbm>>
        tpu.wait_dma2 semaphore(%run_scoped3A : memref<!tpu.dma_semaphore, #tpu.memory_space<semaphore_mem>>) src(%arg19 : memref<112xf32, #tpu.memory_space<vmem>>) dst(%dma_wait3A_103 : memref<112xf32, #tpu.memory_space<hbm>>)
        tpu.yield
      }) : () -> ()
      %mul3A_94 = arith.constant 112 : i32
      %mul3A_95 = arith.muli %add3A, %mul3A_94 : i32
      "tpu.region"() ({
        %run_scoped3A = tpu.sem_alloc : memref<!tpu.dma_semaphore, #tpu.memory_space<semaphore_mem>>
        %dma_start3A_100 = tpu.memref_slice %arg8[%mul3A_95] : memref<896xi32, #tpu.memory_space<hbm>> -> memref<112xi32, #tpu.memory_space<hbm>>
        %dma_start3A_101 = tpu.memref_slice %arg8[%mul3A_95] : memref<896xi32, #tpu.memory_space<hbm>> -> memref<112xi32, #tpu.memory_space<hbm>>
        tpu.enqueue_dma source(%arg20 : memref<112xi32, #tpu.memory_space<vmem>>) target(%dma_start3A_101 : memref<112xi32, #tpu.memory_space<hbm>>) target_semaphore(%run_scoped3A : memref<!tpu.dma_semaphore, #tpu.memory_space<semaphore_mem>>)
        %dma_wait3A_102 = tpu.memref_slice %arg8[%mul3A_95] : memref<896xi32, #tpu.memory_space<hbm>> -> memref<112xi32, #tpu.memory_space<hbm>>
        %dma_wait3A_103 = tpu.memref_slice %arg8[%mul3A_95] : memref<896xi32, #tpu.memory_space<hbm>> -> memref<112xi32, #tpu.memory_space<hbm>>
        tpu.wait_dma2 semaphore(%run_scoped3A : memref<!tpu.dma_semaphore, #tpu.memory_space<semaphore_mem>>) src(%arg20 : memref<112xi32, #tpu.memory_space<vmem>>) dst(%dma_wait3A_103 : memref<112xi32, #tpu.memory_space<hbm>>)
        tpu.yield
      }) : () -> ()
      %mul3A_96 = arith.constant 112 : i32
      %mul3A_97 = arith.muli %add3A, %mul3A_96 : i32
      %mul3A_98 = arith.constant 4 : i32
      %mul3A_99 = arith.muli %mul3A_97, %mul3A_98 : i32
      "tpu.region"() ({
        %run_scoped3A = tpu.sem_alloc : memref<!tpu.dma_semaphore, #tpu.memory_space<semaphore_mem>>
        %dma_start3A_100 = tpu.memref_slice %arg9[%mul3A_99] : memref<3584xf32, #tpu.memory_space<hbm>> -> memref<448xf32, #tpu.memory_space<hbm>>
        %dma_start3A_101 = tpu.memref_slice %arg9[%mul3A_99] : memref<3584xf32, #tpu.memory_space<hbm>> -> memref<448xf32, #tpu.memory_space<hbm>>
        tpu.enqueue_dma source(%arg21 : memref<448xf32, #tpu.memory_space<vmem>>) target(%dma_start3A_101 : memref<448xf32, #tpu.memory_space<hbm>>) target_semaphore(%run_scoped3A : memref<!tpu.dma_semaphore, #tpu.memory_space<semaphore_mem>>)
        %dma_wait3A_102 = tpu.memref_slice %arg9[%mul3A_99] : memref<3584xf32, #tpu.memory_space<hbm>> -> memref<448xf32, #tpu.memory_space<hbm>>
        %dma_wait3A_103 = tpu.memref_slice %arg9[%mul3A_99] : memref<3584xf32, #tpu.memory_space<hbm>> -> memref<448xf32, #tpu.memory_space<hbm>>
        tpu.wait_dma2 semaphore(%run_scoped3A : memref<!tpu.dma_semaphore, #tpu.memory_space<semaphore_mem>>) src(%arg21 : memref<448xf32, #tpu.memory_space<vmem>>) dst(%dma_wait3A_103 : memref<448xf32, #tpu.memory_space<hbm>>)
        tpu.yield
      }) : () -> ()
    } else {
    }
    return
  }
}

module attributes {stable_mosaic.version = 14 : i64} {
  func.func @_rowmax_body(%arg0: i32, %arg1: i32, %arg2: memref<1x5000x91xf32, #tpu.memory_space<vmem>>, %arg3: memref<1x1x5000xf32, #tpu.memory_space<vmem>>, %arg4: memref<1x5000x128xf32, #tpu.memory_space<vmem>>) attributes {dimension_semantics = [#tpu.dimension_semantics<arbitrary>, #tpu.dimension_semantics<arbitrary>], iteration_bounds = array<i64: 8, 1>, scalar_prefetch = 0 : i64, scratch_operands = 0 : i64, tpu.core_type = #tpu.core_type<tc>, window_params = [{transform_indices = @transform_0, window_bounds = array<i64: 1, 5000, 91>}, {transform_indices = @transform_1, window_bounds = array<i64: 1, 1, 5000>}, {transform_indices = @transform_2, window_bounds = array<i64: 1, 5000, 128>}]} {
    %get3A = arith.constant 0 : index
    %get3A_0 = arith.constant 0 : index
    %get3A_1 = arith.constant 0 : index
    %get3A_2 = vector.load %arg2[%get3A, %get3A_0, %get3A_1] : memref<1x5000x91xf32, #tpu.memory_space<vmem>>, vector<1x5000x91xf32>
    %get3A_3 = vector.shape_cast %get3A_2 : vector<1x5000x91xf32> to vector<5000x91xf32>
    %slice3A = vector.extract_strided_slice %get3A_3 {offsets = [0, 0], sizes = [5000, 81], strides = [1, 1]} : vector<5000x91xf32> to vector<5000x81xf32>
    %reduce_max3A = arith.constant dense<0xFF800000> : vector<5000xf32>
    %reduce_max3A_4 = vector.multi_reduction <maximumf>, %slice3A, %reduce_max3A [1] : vector<5000x81xf32> to vector<5000xf32>
    %swap3A = arith.constant 0 : index
    %swap3A_5 = arith.constant 0 : index
    %swap3A_6 = arith.constant 0 : index
    %swap3A_7 = vector.load %arg3[%swap3A, %swap3A_5, %swap3A_6] : memref<1x1x5000xf32, #tpu.memory_space<vmem>>, vector<1x1x5000xf32>
    %swap3A_8 = vector.shape_cast %swap3A_7 : vector<1x1x5000xf32> to vector<5000xf32>
    %swap3A_9 = vector.shape_cast %reduce_max3A_4 : vector<5000xf32> to vector<1x1x5000xf32>
    tpu.vector_store %arg3[%swap3A, %swap3A_5, %swap3A_6], %swap3A_9 {strides = array<i32>} : memref<1x1x5000xf32, #tpu.memory_space<vmem>>, vector<1x1x5000xf32>,
    %swap3A_10 = arith.constant 0 : index
    %swap3A_11 = arith.constant 0 : index
    %swap3A_12 = arith.constant 0 : index
    %swap3A_13 = vector.load %arg4[%swap3A_10, %swap3A_11, %swap3A_12] : memref<1x5000x128xf32, #tpu.memory_space<vmem>>, vector<1x5000x91xf32>
    %swap3A_14 = vector.shape_cast %swap3A_13 : vector<1x5000x91xf32> to vector<5000x91xf32>
    %swap3A_15 = vector.shape_cast %get3A_3 : vector<5000x91xf32> to vector<1x5000x91xf32>
    tpu.vector_store %arg4[%swap3A_10, %swap3A_11, %swap3A_12], %swap3A_15 {strides = array<i32>} : memref<1x5000x128xf32, #tpu.memory_space<vmem>>, vector<1x5000x91xf32>,
    return
  }
  func.func @transform_0(%arg0: i32, %arg1: i32) -> (i32, i32, i32) {
    %c0_i32 = arith.constant 0 : i32
    %c0_i32_0 = arith.constant 0 : i32
    return %arg0, %arg1, %c0_i32 : i32, i32, i32
  }
  func.func @transform_1(%arg0: i32, %arg1: i32) -> (i32, i32, i32) {
    %mul3A = arith.constant 1 : i32
    %mul3A_0 = arith.muli %arg0, %mul3A : i32
    %add3A = arith.addi %mul3A_0, %arg1 : i32
    %c0_i32 = arith.constant 0 : i32
    %c0_i32_1 = arith.constant 0 : i32
    %c0_i32_2 = arith.constant 0 : i32
    return %add3A, %c0_i32, %c0_i32_1 : i32, i32, i32
  }
  func.func @transform_2(%arg0: i32, %arg1: i32) -> (i32, i32, i32) {
    %mul3A = arith.constant 1 : i32
    %mul3A_0 = arith.muli %arg0, %mul3A : i32
    %add3A = arith.addi %mul3A_0, %arg1 : i32
    %c0_i32 = arith.constant 0 : i32
    %c0_i32_1 = arith.constant 0 : i32
    %c0_i32_2 = arith.constant 0 : i32
    return %add3A, %c0_i32, %c0_i32_1 : i32, i32, i32
  }
}

</mosaic_0001>

<sc_bundles>
// kernel: kernel.4.cloned.1.call-start
scs
__scs_entry_jumppad:
0x0: {  	(pc) =	sbr.rel $0x88, $3  }
0x1: {  	(tag) =	ssettag $0x0;
	lr =	simm.s32 $0x1  }
0x2: {  	[smem:$0x3F9D] =	sst lr;
	_ =	strace $0xD0000000  }
0x3: {  	_ = 	snop  }
0x4: {  	_ = 	snop  }
0x5: {  	_ = 	snop  }
0x6: {  	_ = 	snop  }
0x7: {  	_ = 	snop  }
__scs_overlays_trampoline_lowered:
0x8: {  	[smem:$0x3FAC] =	sst s0  }
0x9: {  	[smem:$0x3FAD] =	sst s1  }
0xa: {  	[smem:$0x3FAE] =	sst s2  }
0xb: {  	[smem:$0x3FAF] =	sst s3  }
0xc: {  	[smem:$0x3FB0] =	sst s4  }
0xd: {  	[smem:$0x3FB1] =	sst s5  }
0xe: {  	[smem:$0x3FB2] =	sst s6  }
0xf: {  	[smem:$0x3FB3] =	sst s7  }
0x10: {  	[smem:$0x3FB4] =	sst s8  }
0x11: {  	[smem:$0x3FB5] =	sst s9;
	s0 =	simm.s32 @!p0 $0x0  }
0x12: {  	s1 =	sld [smem:$0x3F9B];
	s0 =	simm.s32 @p0 $0x1  }
0x13: {  	[smem:$0x3FB6] =	sst s0;
	s0 =	simm.s32 @!p1 $0x0  }
0x14: {  	s2 =	sld [smem:$0x3F9A];
	s0 =	simm.s32 @p1 $0x1  }
0x15: {  	[smem:$0x3FB7] =	sst s0;
	s0 =	simm.s32 @!p2 $0x0  }
0x16: {  	s3 =	sld [smem:$0x3FDB];
	s0 =	simm.s32 @p2 $0x1  }
0x17: {  	s4 =	simm.s32 $0x1BF5;
	[smem:$0x3FB9] =	sst s0  }
0x18: {  	s0 =	sld [smem:$0x3F9C];
	_ =	swait.ge [sflag:s4], $0x0  }
0x19: {  	s7 =	sld [smem:$0x3F9D]  }
0x1a: {  	s8 =	sadd.s32 $0xFFFFE003, lr  }
0x1b: {  	s9 =	sadd.s32 $0xFFFFFEF7, lr;
	s5 =	simm.s32 $0xFFFFFFFF;
	p2 =	slt.u32 s8, $0xFFFFF086  }
0x1c: {  	p1 =	slt.u32 s9, $0xF7A;
	s5 =	simm.s32 @!p2 $0x0  }
0x1d: {  	s5 =	simm.s32 @p1 $0x1;
	p0 =	seq.s32 s7, s2  }
0x1e: {  	s7 =	smul.u32 @!p0 $0xF7A, s2;
	p2 =	seq.s32 @!p0 s5, $0x0  }
0x1f: {  	s9 =	smul.u32 $0xF7A, s1;
	s8 =	simm.s32 @!p0 $0x1BF5;
	p2 =	por !p2, p0  }
0x20: {  	[sflag:s8] =	ssyncset.s32 @!p0 $0xFFFFF086;
	s6 =	sadd.s32 @!p0 s3, s7;
	s7 =	simm.s32 @!p0 $0x108  }
0x21: {  	s3 =	sadd.s32 s3, s9;
	s6 =	sadd.s32 @!p0 $0x88, s6;
	s7 =	simm.s32 @p2 $0x1082  }
0x22: {  	[simem:s7], [sflag:s8] =	dma.local @!p0 [hbm:s6], $0xF7A  }
0x23: {  	s9 =	sor.u32 $0xD0000000, s2;
	s6 =	simm.s32 $0x108;
	_ =	swait.ge @!p0 [sflag:s8], $0x0  }
0x24: {  	s3 =	sadd.s32 $0x88, s3;
	s6 =	simm.s32 @!p1 $0x1082;
	[sflag:s4] =	ssyncset.s32 $0xFFFFF086  }
0x25: {  	[simem:s6], [sflag:s4] =	dma.local [hbm:s3], $0xF7A  }
0x26: {  	[smem:$0x3F9D] =	sst s1;
	(tag) =	ssettag s2;
	_ =	strace s9  }
0x27: {  	s1 =	sld [smem:$0x3FAD]  }
0x28: {  	s2 =	sld [smem:$0x3FAE]  }
0x29: {  	s4 =	sld [smem:$0x3FB0]  }
0x2a: {  	p0 =	seq.s32 s5, $0x0;
	s5 =	sld [smem:$0x3FB1]  }
0x2b: {  	s6 =	sld [smem:$0x3FB2]  }
0x2c: {  	s7 =	sld [smem:$0x3FB3]  }
0x2d: {  	s3 =	simm.s32 $0x108;
	s8 =	sld [smem:$0x3FB4]  }
0x2e: {  	s3 =	simm.s32 @!p0 $0x1082;
	s9 =	sld [smem:$0x3FB5]  }
0x2f: {  	lr =	sadd.s32 s0, s3;
	s0 =	sld [smem:$0x3FAC]  }
0x30: {  	s3 =	sld [smem:$0x3FAF]  }
0x31: {  	[smem:$0x3FB8] =	sst s10  }
0x32: {  	s10 =	sld [smem:$0x3FB6];
	_ =	sdelay $0x3  }
0x33: {  	p0 =	seq.s32 s10, $0x1;
	s10 =	sld [smem:$0x3FB8];
	_ =	sdelay $0x3  }
0x34: {  	[smem:$0x3FB8] =	sst s10  }
0x35: {  	s10 =	sld [smem:$0x3FB7];
	_ =	sdelay $0x3  }
0x36: {  	p1 =	seq.s32 s10, $0x1;
	s10 =	sld [smem:$0x3FB8];
	_ =	sdelay $0x3  }
0x37: {  	[smem:$0x3FB8] =	sst s10  }
0x38: {  	s10 =	sld [smem:$0x3FB9]  }
0x39: {  	_ = 	snop;
	(pc) =	sbr.ind lr, $3  }
0x3a: {  	_ = 	snop  }
0x3b: {  	_ = 	snop  }
0x3c: {  	p2 =	seq.s32 s10, $0x1;
	s10 =	sld [smem:$0x3FB8]  }
0x3d: {  	_ =	shalt  }
0x3e: {  	_ =	shalt  }
0x3f: {  	_ =	shalt  }
0x40: {  	_ =	shalt  }
0x41: {  	_ =	shalt  }
0x42: {  	_ =	shalt  }
0x43: {  	_ =	shalt  }
0x44: {  	_ =	shalt  }
0x45: {  	_ =	shalt  }
0x46: {  	_ =	shalt  }
0x47: {  	_ =	shalt  }
0x48: {  	_ =	shalt  }
0x49: {  	_ =	shalt  }
0x4a: {  	_ =	shalt  }
0x4b: {  	_ =	shalt  }
0x4c: {  	_ =	shalt  }
0x4d: {  	_ =	shalt  }
0x4e: {  	_ =	shalt  }
0x4f: {  	_ =	shalt  }
0x50: {  	_ =	shalt  }
0x51: {  	_ =	shalt  }
0x52: {  	_ =	shalt  }
0x53: {  	_ =	shalt  }
0x54: {  	_ =	shalt  }
0x55: {  	_ =	shalt  }
0x56: {  	_ =	shalt  }
0x57: {  	_ =	shalt  }
0x58: {  	_ =	shalt  }
0x59: {  	_ =	shalt  }
0x5a: {  	_ =	shalt  }
0x5b: {  	_ =	shalt  }
0x5c: {  	_ =	shalt  }
0x5d: {  	_ =	shalt  }
0x5e: {  	_ =	shalt  }
0x5f: {  	_ =	shalt  }
0x60: {  	_ =	shalt  }
0x61: {  	_ =	shalt  }
0x62: {  	_ =	shalt  }
0x63: {  	_ =	shalt  }
0x64: {  	_ =	shalt  }
0x65: {  	_ =	shalt  }
0x66: {  	_ =	shalt  }
0x67: {  	_ =	shalt  }
0x68: {  	_ =	shalt  }
0x69: {  	_ =	shalt  }
0x6a: {  	_ =	shalt  }
0x6b: {  	_ =	shalt  }
0x6c: {  	_ =	shalt  }
0x6d: {  	_ =	shalt  }
0x6e: {  	_ =	shalt  }
0x6f: {  	_ =	shalt  }
0x70: {  	_ =	shalt  }
0x71: {  	_ =	shalt  }
0x72: {  	_ =	shalt  }
0x73: {  	_ =	shalt  }
0x74: {  	_ =	shalt  }
0x75: {  	_ =	shalt  }
0x76: {  	_ =	shalt  }
0x77: {  	_ =	shalt  }
0x78: {  	_ =	shalt  }
0x79: {  	_ =	shalt  }
0x7a: {  	_ =	shalt  }
0x7b: {  	_ =	shalt  }
0x7c: {  	_ =	shalt  }
0x7d: {  	_ =	shalt  }
0x7e: {  	_ =	shalt  }
0x7f: {  	_ =	shalt  }
0x80: {  	_ =	shalt  }
0x81: {  	_ =	shalt  }
0x82: {  	_ =	shalt  }
0x83: {  	_ =	shalt  }
0x84: {  	_ =	shalt  }
0x85: {  	_ =	shalt  }
0x86: {  	_ =	shalt  }
0x87: {  	_ =	shalt  }
.Lfunc_end0:
.L_simem_size_0:
called_computation_lowered:
.L_overlay_start_0:
0x88: {  	s2 =	sld [smem:$0x3FD9]  }
0x89: {  	s3 =	sld [smem:$0x3FFE];
	_ =	sdelay $0x1  }
0x8a: {  	s1 =	srdreg.scid  }
0x8b: {  	s0 =	sand.u32 $0x1, s1  }
0x8c: {  	s14 =	sshll.u32 s0, $0xA;
	s2 =	sadd.s32 s3, s2  }
0x8d: {  	s2 =	sadd.s32 s2, s14  }
0x8e: {  	[smem:$0x3FC4] =	sst s2  }
0x8f: {  	_ = 	snop  }
0x90: {  	s2 =	sld [smem:$0x3FD0];
	_ =	sdelay $0x2  }
0x91: {  	s15 =	simm.s32 $0xA;
	s4 =	simm.s32 $0x10  }
0x92: {  	[smem:s4], [sflag:s15] =	dma.local [hbm:s2], $0x1  }
0x93: {  	_ =	swait.eq [sflag:s15], $0x1  }
0x94: {  	s16 =	sld [smem:$0x10];
	[sflag:s15] =	ssyncset.done $0x0  }
0x95: {  	s17 =	sld [smem:$0x11];
	[sflag:s15] =	ssyncadd.s32 $0xFFFFFFFF  }
0x96: {  	s18 =	sld [smem:$0x12];
	(tm) =	ssettm $0x1  }
0x97: {  	s5 =	sld [smem:$0x3FFB];
	_ =	sdelay $0x3  }
0x98: {  	_ =	strace s5  }
0x99: {  	s5 =	sld [smem:$0x3FFC];
	_ =	sdelay $0x3  }
0x9a: {  	_ =	strace s5  }
0x9b: {  	s5 =	sld [smem:$0x3FFD];
	_ =	sdelay $0x3  }
0x9c: {  	_ =	strace s5  }
0x9d: {  	_ =	strace $0x8FFFFFFF  }
0x9e: {  	s19 =	sld [smem:$0x3FDB];
	_ =	sdelay $0x1  }
0x9f: {  	s6 =	simm.s32 $_scs_section_size  }
0xa0: {  	s7 =	simm.s32 $_size__tile_overlayer_lowered;
	s8 =	simm.s32 $_tile_overlayer_lowered  }
0xa1: {  	s22 =	simm.s32 $0x1BFF;
	s21 =	sshll.u32 s8, $0x1;
	s5 =	sadd.s32 s6, s19  }
0xa2: {  	s9 =	simm.s32 $0x0;
	s20 =	sshll.u32 s7, $0x1;
	s7 =	sadd.s32 s21, s5  }
0xa3: {  	[timem:s9], [sflag:s22] =	dma.local [hbm:s7], s20  }
0xa4: {  	_ =	swait.ge [sflag:s22], s20  }
0xa5: {  	s6 =	ssub.s32 $0x0, s20;
	[sflag:s22] =	ssyncset.done $0x0  }
0xa6: {  	[sflag:s22] =	ssyncadd.s32 s6;
	_ =	sdelay $0x1  }
0xa7: {  	s23 =	simm.s32 $0x1B8B  }
0xa8: {  	_ =	swait.ge [sflag:s23], $0x1  }
0xa9: {  	[sflag:s23] =	ssyncset.done $0x0  }
0xaa: {  	s25 =	simm.s32 $0x1B8E;
	s24 =	sld [smem:$0x3FFE];
	[sflag:s23] =	ssyncadd.s32 $0xFFFFFFFF  }
0xab: {  	s26 =	simm.s32 $execute0_lowered;
	[smem:$0x3FD2] =	sst s25  }
0xac: {  	s7 =	sshll.u32 s26, $0x1;
	_ =	strace $0x80000046;
	[dreg:$0x1] =	wrdreg $0xFFFFFFFF  }
0xad: {  	s28 =	simm.s32 $_size_execute0_lowered;
	s5 =	sadd.s32 s5, s7;
	[dreg:$0x0] =	wrdreg $0x0  }
0xae: {  	s7 =	sshll.u32 s28, $0x1;
	[dreg:$0x2] =	wrdreg s5  }
0xaf: {  	[dreg:$0x3] =	wrdreg s7  }
0xb0: {  	[dreg:$0x4] =	wrdreg $0xC0  }
0xb1: {  	_ =	task [dreg:s9], $0x5FFFF  }
0xb2: {  	[dreg:$0x1] =	wrdreg $0xFFFFFFFF  }
0xb3: {  	[dreg:$0x0] =	wrdreg $0x60  }
0xb4: {  	[dreg:$0x2] =	wrdreg s24  }
0xb5: {  	[dreg:$0x3] =	wrdreg s16  }
0xb6: {  	[dreg:$0x4] =	wrdreg s17  }
0xb7: {  	[dreg:$0x5] =	wrdreg s18  }
0xb8: {  	[dreg:$0x6] =	wrdreg $0x9  }
0xb9: {  	_ =	task.clear_ibuf [dreg:s9], $0x7FFFF;
	_ =	strace $0x90000046  }
0xba: {  	s29 =	simm.s32 $0x9;
	_ =	strace $0x80000048  }
0xbb: {  	_ =	swait.ge [sflag:s29], $0x1  }
0xbc: {  	[sflag:s29] =	ssyncadd.s32 $0xFFFFFFFF  }
0xbd: {  	_ =	strace $0x90000048  }
0xbe: {  	_ =	sfence  }
0xbf: {  	s30 =	sld [smem:$0x0];
	_ =	sdelay $0x2  }
0xc0: {  	s31 =	sshll.u32 s1, $0xD;
	s1 =	sshrl.u32 s1, $0x2  }
0xc1: {  	s3 =	sand.u32 $0x4000, s31;
	s1 =	sadd.s32 s1, s30  }
0xc2: {  	s0 =	sor.u32 s3, s0;
	s1 =	sshll.u32 s1, $0x11  }
0xc3: {  	s0 =	sor.u32 s1, s0  }
0xc4: {  	s0 =	sadd.s32 $0x8F2B, s0  }
0xc5: {  	[sflag:s0] =	ssyncadd.remote.s32 $0x1  }
0xc6: {  	_ =	sfence.sel $0xFFFF  }
0xc7: {  	[dreg:$0x0] =	wrdreg $0xFFFFFFFF;
	(pc) =	sbr.abs _section_cstart, $3  }
0xc8: {  	[dreg:$0x1] =	wrdreg $0xFFFFFFFF  }
0xc9: {  	_ =	task.clear_ibuf [dreg:s9], $0x2FFFF;
	_ =	strace $0x9FFFFFFF  }
0xca: {  	(tm) =	ssettm $0x7FFFFFFF  }
0xcb: {  	_ =	shalt  }
tec
execute0_lowered:
.L_overlay_start_1:
0x0: {  	(tag) =	ssettag $0x1  }
0x1: {  	s3 =	stileid.u32  }
0x2: {  	p0 =	sgt.u32 s3, $0x3  }
.Ltmp0:
0x3: {  	s5 =	rddreg [dreg:$0x0];
	(pc) =	sbr.rel @p0 .LBB2_19-.Ltmp0, $4  }
0x4: {  	s7 =	rddreg [dreg:$0x1]  }
0x5: {  	s1 =	rddreg [dreg:$0x2];
	s2 =	simm.s32 $0x0  }
0x6: {  	[smem:$0x7FF] =	sst s2  }
0x7: {  	s0 =	rddreg [dreg:$0x3];
	_ =	strace $0x80000047  }
0x8: {  	s3 =	srdreg.scid  }
0x9: {  	s21 =	stileid.u32;
	s12 =	sadd.s32 $0x9D600, s5;
	s4 =	sadd.s32 $0x1200, s5  }
0xa: {  	s16 =	simm.s32 $0x2980;
	s8 =	sand.u32 $0x1, s3;
	s3 =	sshll.u32 s21, $0x1  }
0xb: {  	s17 =	simm.s32 $0x2900;
	s19 =	simm.s32 $0x2A00;
	s9 =	sor.u32 s8, s3  }
0xc: {  	s28 =	simm.s32 $0x9B80;
	s29 =	simm.s32 $0x9C00;
	s11 =	smul.u32 $0x280, s9  }
0xd: {  	s30 =	simm.s32 $0x0;
	[dreg:$0x5] =	wrdreg s4;
	s6 =	smul.u32 $0x9C4, s9  }
0xe: {  	v0 =	vlaneseq.u32;
	v4 =	vimm.f32 $-1.000000000e+00;
	v5 =	vimm.s32 $0x0;
	s21 =	simm.s32 $0x2;
	s15 =	ssub.s32 $0x2, s8;
	s10 =	smul.u32 $0xE, s9  }
0xf: {  	vm0 =	vmmov $0xf;
	v15 =	vimm.f32 $5.000000000e-01;
	vm2 =	vcmask $0x700;
	s3 =	smul.u32 $0x1388, s9;
	s24 =	sshll.u32 s9, $0x1;
	s26 =	sshrl.u32 s15, $0x1  }
0x10: {  	vm3 =	vcmask $0x3730;
	v2 =	vmul.u32 $0x10, v0;
	v3 =	vor.u32 $0x60, v0;
	s25 =	smul.u32 $0x38, s9;
	s7 =	sadd.s32 s7, s24;
	s31 =	ssub.s32 s15, s26  }
0x11: {  	v6 =	vor.u32 $0x80000000, v0;
	v8 =	vor.u32 $0x80000010, v0;
	v9 =	vor.u32 $0x10, v0;
	s15 =	simm.s32 $0x2800;
	s24 =	simm.s32 $0x1;
	s26 =	simm.s32 $0x9B00  }
0x12: {  	v10 =	vor.u32 $0x20, v0;
	v11 =	vor.u32 $0x30, v0;
	v13 =	vor.u32 $0x50, v0;
	s13 =	sadd.s32 s11, s5;
	s6 =	sadd.s32 s6, s5;
	s14 =	sadd.s32 s10, s5  }
0x13: {  	v14 =	vor.u32 $0x80000020, v0;
	v16 =	vsel vm2, $0xBF000000, v15;
	vm2 =	vcmask $0x1710;
	s8 =	sadd.s32 s1, s10;
	s10 =	sadd.s32 s0, s25;
	s11 =	sadd.s32 s12, s11  }
0x14: {  	v15 =	vor.u32 $0x80000030, v0;
	v17 =	vsel vm2, $0xBF000000, v16;
	vm2 =	vcmask $0x2720;
	s12 =	simm.s32 $0x1400;
	s18 =	smax.u32 s31, $0x1;
	s25 =	simm.s32 $0x9A80  }
0x15: {  	vm1 =	vmmov $0x1;
	v12 =	vor.u32 $0x40, v0;
	v16 =	vor.u32 $0x80000040, v0;
	s22 =	sadd.s32 $0x9EA00, s13;
	s23 =	sadd.s32 $0x13AE00, s6;
	s9 =	sadd.s32 $0x9FE00, s14  }
0x16: {  	v7 =	vor.u32 $0x100, v2;
	v18 =	vsel vm2, $0xBF000000, v17;
	vm2 =	vmmov $0x7f;
	s13 =	simm.s32 $0x9E00;
	s14 =	simm.s32 $0xEC80;
	[dreg:$0x6] =	wrdreg s22  }
0x17: {  	v17 =	vor.u32 $0x80000050, v0;
	v18 =	vsel vm3, $0xBF000000, v18;
	v1 =	vmov s3;
	[dreg:$0x7] =	wrdreg s23;
	s22 =	simm.s32 $0x2A80;
	s23 =	simm.s32 $0x6280  }
.LBB2_2:
0x18: {  	s0 =	simm.s32 $0x0  }
0x19: {  	[tilespmem:s0], [sflag:$0x2] =	stream.linear.gather [hbm4b:s11+s0], $0x1400, $0x38;
	[tilespmem:$0xED00] =	vst v63  }
0x1a: {  	_ =	swait.ge [sflag:s21], $0x1400  }
0x1b: {  	[sflag:s21] =	ssyncset.done $0x0  }
0x1c: {  	s1 =	rddreg [dreg:$0x6];
	[sflag:s21] =	ssyncadd.s32 $0xFFFFEC00  }
0x1d: {  	[tilespmem:s12], [sflag:$0x2] =	stream.linear.gather [hbm4b:s1+s0], $0x1400, $0x38;
	[tilespmem:$0xED00] =	vst v63  }
0x1e: {  	_ =	swait.ge [sflag:s21], $0x1400  }
0x1f: {  	[sflag:s21] =	ssyncset.done $0x0  }
0x20: {  	s20 =	rddreg [dreg:$0x7];
	[sflag:s21] =	ssyncadd.s32 $0xFFFFEC00  }
0x21: {  	[tilespmem:s13], [sflag:$0x2] =	stream.linear.gather [hbm4b:s20+s0], $0x4E20, $0x38;
	[tilespmem:$0xED00] =	vst v63  }
0x22: {  	_ =	swait.ge [sflag:s21], $0x4E20  }
0x23: {  	[sflag:s21] =	ssyncset.done $0x0  }
0x24: {  	v19 =	vor.u32 s0, v0;
	[sflag:s21] =	ssyncadd.s32 $0xFFFFB1E0  }
0x25: {  	[tilespmem:s14], [sflag:$0x2] =	stream.linear.gather [hbm4b:s7+s0], $0x10, $0x38;
	[tilespmem:$0xED00] =	vst v63  }
0x26: {  	_ =	swait.ge [sflag:s21], $0x10  }
0x27: {  	[sflag:s21] =	ssyncset.done $0x0  }
0x28: {  	[sflag:s21] =	ssyncadd.s32 $0xFFFFFFF0  }
0x29: {  	v20 =	vld.idx.msk [tilespmem:v19+s0+$0x0], $0xffff;
	_ =	sdelay $0x4  }
0x2a: {  	v20 =	vsub.f32 $0.0e+00, v20;
	_ =	sdelay $0x1  }
0x2b: {  	v20 =	vmul.f32 $1.442695020e+00, v20;
	_ =	sdelay $0x1  }
0x2c: {  	(erf) = vpow2.f32 v20;
	_ =	sdelay $0x1  }
0x2d: {  	v20 =	vld.idx.msk [tilespmem:v19+s12+$0x0], $0xffff;
	_ =	sdelay $0x4  }
0x2e: {  	v20 =	vsub.f32 $0.0e+00, v20;
	_ =	sdelay $0x1  }
0x2f: {  	v20 =	vmul.f32 $1.442695020e+00, v20;
	v21 =	vpop (erf)  }
0x30: {  	v21 =	vadd.f32 $1.000000000e+00, v21  }
0x31: {  	(erf) = vpow2.f32 v20  }
0x32: {  	(erf) = vrcp.f32 v21;
	_ =	sdelay $0x7  }
0x33: {  	s31 =	simm.s32 $0x10;
	v21 =	vpop (erf)  }
0x34: {  	s1 =	simm.s32 $0x20;
	v20 =	vor.u32 s31, v0;
	v22 =	vpop (erf)  }
.LBB2_3:
0x35: {  	p0 =	sne.s32 s1, $0x13F0;
	v21 =	vmul.f32 v22, v21  }
0x36: {  	vm3 =	vlt.u32 v19, $0x1388  }
0x37: {  	v21 =	vnsel vm3, $0xBF800000, v21  }
0x38: {  	[tilespmem:v19+s0+$0x0] =	vst.idx.msk $0xffff, v21;
	v19 =	vmov v20  }
0x39: {  	v20 =	vld.idx.msk [tilespmem:v20+s0+$0x0], $0xffff;
	_ =	sdelay $0x5  }
0x3a: {  	v20 =	vsub.f32 $0.0e+00, v20;
	_ =	sdelay $0x1  }
0x3b: {  	v20 =	vmul.f32 $1.442695020e+00, v20;
	_ =	sdelay $0x1  }
0x3c: {  	(erf) = vpow2.f32 v20  }
0x3d: {  	v20 =	vld.idx.msk [tilespmem:v19+s12+$0x0], $0xffff;
	_ =	sdelay $0x5  }
0x3e: {  	v20 =	vsub.f32 $0.0e+00, v20;
	_ =	sdelay $0x1  }
0x3f: {  	v20 =	vmul.f32 $1.442695020e+00, v20;
	v21 =	vpop (erf)  }
0x40: {  	v21 =	vadd.f32 $1.000000000e+00, v21  }
0x41: {  	(erf) = vpow2.f32 v20  }
0x42: {  	(erf) = vrcp.f32 v21;
	_ =	sdelay $0x4  }
.Ltmp1:
0x43: {  	(pc) =	sbr.rel @p0 .LBB2_3-.Ltmp1, $3  }
0x44: {  	_ =	sdelay $0x1  }
0x45: {  	v21 =	vpop (erf)  }
0x46: {  	v20 =	vor.u32 s1, v0;
	s1 =	sadd.s32 $0x10, s1;
	v22 =	vpop (erf)  }
0x47: {  	_ = 	snop  }
0x48: {  	v21 =	vmul.f32 v22, v21  }
0x49: {  	vm3 =	vlt.u32 v19, $0x1388  }
0x4a: {  	v21 =	vnsel vm3, $0xBF800000, v21  }
0x4b: {  	[tilespmem:v19+s0+$0x0] =	vst.idx.msk $0xffff, v21  }
0x4c: {  	v19 =	vld.idx.msk [tilespmem:v20+s0+$0x0], $0xffff;
	_ =	sdelay $0x4  }
0x4d: {  	v19 =	vsub.f32 $0.0e+00, v19;
	_ =	sdelay $0x1  }
0x4e: {  	v19 =	vmul.f32 $1.442695020e+00, v19;
	_ =	sdelay $0x1  }
0x4f: {  	(erf) = vpow2.f32 v19;
	_ =	sdelay $0x1  }
0x50: {  	v19 =	vld.idx.msk [tilespmem:v20+s12+$0x0], $0xffff;
	_ =	sdelay $0x4  }
0x51: {  	v19 =	vsub.f32 $0.0e+00, v19;
	_ =	sdelay $0x1  }
0x52: {  	v19 =	vmul.f32 $1.442695020e+00, v19;
	v63 =	vpop (erf)  }
0x53: {  	v21 =	vadd.f32 $1.000000000e+00, v63  }
0x54: {  	(erf) = vpow2.f32 v19  }
0x55: {  	(erf) = vrcp.f32 v21;
	_ =	sdelay $0x7  }
0x56: {  	v19 =	vpop (erf)  }
0x57: {  	v21 =	vpop (erf)  }
0x58: {  	v19 =	vmul.f32 v21, v19  }
0x59: {  	vm3 =	vlt.u32 v20, $0x1388  }
0x5a: {  	v19 =	vnsel vm3, $0xBF800000, v19  }
0x5b: {  	s1 =	simm.s32 $0x0;
	[tilespmem:v20+s0+$0x0] =	vst.idx.msk $0xffff, v19  }
.LBB2_5:
0x5c: {  	s20 =	sadd.s32 $0x0, s0  }
0x5d: {  	v20 =	vor.u32 s20, v0;
	_ =	sdelay $0x3  }
0x5e: {  	s31 =	sadd.s32 $0x10, s0  }
0x5f: {  	v19 =	vimm.f32 $-2.000000000e+00;
	s20 =	simm.s32 $0x20;
	v21 =	vor.u32 s31, v0;
	v20 =	vld.idx.msk [tilespmem:v20+s2+$0x0], $0xffff  }
.LBB2_6:
0x60: {  	p0 =	sne.s32 s20, $0x130  }
.Ltmp2:
0x61: {  	_ = 	snop;
	(pc) =	sbr.rel @p0 .LBB2_6-.Ltmp2, $3  }
0x62: {  	_ =	sdelay $0x1  }
0x63: {  	s31 =	sadd.s32 s20, s0;
	s20 =	sadd.s32 $0x10, s20;
	v19 =	vmax.f32 v19, v20;
	v20 =	vld.idx.msk [tilespmem:v21+s2+$0x0], $0xffff  }
0x64: {  	v21 =	vor.u32 s31, v0  }
0x65: {  	_ =	sdelay $0x3  }
0x66: {  	v21 =	vld.idx.msk [tilespmem:v21+s2+$0x0], $0xffff;
	s20 =	sshll.u32 s1, $0x4;
	s1 =	sadd.s32 $0x1, s1  }
0x67: {  	v22 =	vor.u32 s20, v0;
	p0 =	sne.s32 s1, $0x10  }
.Ltmp3:
0x68: {  	_ = 	snop;
	(pc) =	sbr.rel @p0 .LBB2_5-.Ltmp3, $4  }
0x69: {  	_ = 	snop  }
0x6a: {  	v19 =	vmax.f32 v19, v20  }
0x6b: {  	v19 =	vmax.f32 v19, v21  }
0x6c: {  	s0 =	sadd.s32 $0x140, s0;
	[tilespmem:v22+s15+$0x0] =	vst.idx.msk $0xffff, v19  }
0x6d: {  	s0 =	simm.s32 $0x0  }
0x6e: {  	v20 =	vor.u32 s0, v0;
	_ =	sdelay $0x4  }
0x6f: {  	v19 =	vimm.f32 $-2.000000000e+00;
	s0 =	simm.s32 $0x10;
	v20 =	vld.idx.msk [tilespmem:v20+s15+$0x0], $0xffff  }
.LBB2_9:
0x70: {  	v21 =	vor.u32 s0, v0;
	p0 =	sne.s32 s0, $0xF0;
	s0 =	sadd.s32 $0x10, s0  }
.Ltmp4:
0x71: {  	(pc) =	sbr.rel @p0 .LBB2_9-.Ltmp4, $2  }
0x72: {  	_ =	sdelay $0x2  }
0x73: {  	v19 =	vmax.f32 v19, v20;
	v20 =	vld.idx.msk [tilespmem:v21+s15+$0x0], $0xffff  }
0x74: {  	_ =	sdelay $0x3  }
0x75: {  	[tilespmem:v3+s16+$0x0] =	vst.idx.msk $0xffff, v4  }
0x76: {  	[tilespmem:v3+s17+$0x0] =	vst.idx.msk $0xffff, v5  }
0x77: {  	s0 =	simm.s32 $0x0;
	[tilespmem:v3+s19+$0x0] =	vst.idx.msk $0xffff, v1;
	v19 =	vmax.f32 v19, v20  }
.LBB2_11:
0x78: {  	(xrf0) =	vmax.scan.msk.f32 $0xffff, v19;
	_ =	sdelay $0x5  }
0x79: {  	v20, _, _ =	vpop (xrf0)  }
0x7a: {  	v20 =	vbroadcast v20, $0xF;
	_ =	sdelay $0x1  }
0x7b: {  	vm3 =	veq.f32 v19, v20  }
0x7c: {  	v21 =	vnsel vm3, $0x80100000, v6  }
0x7d: {  	(xrf0) =	vmin.scan.msk.u32 $0xffff, v21;
	_ =	sdelay $0x5  }
0x7e: {  	v21, _, _ =	vpop (xrf0)  }
0x7f: {  	(v2sf) =	vpush v21, $0xF;
	_ =	sdelay $0xe  }
0x80: {  	s1 =	spop (v2sf)  }
0x81: {  	s1 =	sxor.u32 $0x80000000, s1  }
0x82: {  	v51 =	vadd.s32 s1, v2;
	_ =	sdelay $0x4  }
0x83: {  	v21 =	vld.idx.msk [tilespmem:v51+s15+$0x0], $0xffff;
	_ =	sdelay $0x4  }
0x84: {  	vm3 =	veq.f32 v21, v20  }
0x85: {  	v22 =	vnsel vm3, $0x80100000, v6  }
0x86: {  	(xrf0) =	vmin.scan.msk.u32 $0xffff, v22;
	_ =	sdelay $0x5  }
0x87: {  	v22, _, _ =	vpop (xrf0)  }
0x88: {  	(v2sf) =	vpush v22, $0xF;
	_ =	sdelay $0xe  }
0x89: {  	s20 =	spop (v2sf)  }
0x8a: {  	s31 =	sxor.u32 $0x80000000, s20  }
0x8b: {  	s4 =	smul.u32 $0x140, s31;
	_ =	sdelay $0x1  }
0x8c: {  	s4 =	sadd.s32 s1, s4  }
0x8d: {  	v52 =	vadd.s32 s4, v2;
	v23 =	vadd.s32 s4, v7  }
0x8e: {  	v24 =	vnsel vm0, $0x0, v23;
	_ =	sdelay $0x3  }
0x8f: {  	v25 =	vld.idx.msk [tilespmem:v52+s2+$0x0], $0xffff  }
0x90: {  	v24 =	vld.idx.msk [tilespmem:v24+s2+$0x0], $0xffff;
	_ =	sdelay $0x4  }
0x91: {  	vm3 =	veq.f32 v25, v20;
	v24 =	vnsel vm0, $0xC0000000, v24  }
0x92: {  	v26 =	vnsel vm3, $0x80100000, v6;
	vm3 =	veq.f32 v24, v20  }
0x93: {  	(xrf0) =	vmin.scan.msk.u32 $0xffff, v26;
	v53 =	vnsel vm3, $0x80100000, v8  }
0x94: {  	(xrf0) =	vmin.scan.msk.u32 $0xffff, v53;
	_ =	sdelay $0x4  }
0x95: {  	v54, _, _ =	vpop (xrf0)  }
0x96: {  	(v2sf) =	vpush v54, $0xF;
	v55, _, _ =	vpop (xrf0)  }
0x97: {  	(v2sf) =	vpush v55, $0xF;
	_ =	sdelay $0xd  }
0x98: {  	s6 =	spop (v2sf)  }
0x99: {  	s5 =	spop (v2sf)  }
0x9a: {  	s4 =	sxor.u32 $0x80000000, s6;
	s5 =	sxor.u32 $0x80000000, s5  }
0x9b: {  	s6 =	smul.u32 $0x14, s20;
	p0 =	slt.s32 s4, s5  }
0x9c: {  	s5 =	smov.u32 @p0 s4  }
0x9d: {  	s4 =	sadd.s32 s6, s5  }
0x9e: {  	s4 =	sshll.u32 s4, $0x4  }
0x9f: {  	s4 =	sadd.s32 s1, s4  }
0xa0: {  	vm3 =	veq.s32 v52, s4  }
0xa1: {  	v22 =	vsel vm3, $0xBF800000, v25;
	vm3 =	veq.s32 v23, s4  }
0xa2: {  	v23 =	vsel vm3, $0xBF800000, v24;
	(xrf0) =	vmax.scan.msk.f32 $0xffff, v22  }
0xa3: {  	(xrf0) =	vmax.scan.msk.f32 $0xffff, v23;
	_ =	sdelay $0x4  }
0xa4: {  	v22, _, _ =	vpop (xrf0)  }
0xa5: {  	(v2sf) =	vpush v22, $0xF;
	v56, _, _ =	vpop (xrf0)  }
0xa6: {  	(v2sf) =	vpush v56, $0xF;
	_ =	sdelay $0xd  }
0xa7: {  	s6 =	spop (v2sf)  }
0xa8: {  	v57 =	vmov s31;
	s31 =	spop (v2sf)  }
0xa9: {  	vm3 =	veq.s32 v57, v0;
	s5 =	smax.f32 s6, s31  }
0xaa: {  	v21 =	vsel vm3, s5, v21  }
0xab: {  	v58 =	vmov s0;
	(xrf0) =	vmax.scan.msk.f32 $0xffff, v21;
	_ =	sdelay $0x1  }
0xac: {  	s31 =	sshll.u32 s20, $0x4  }
0xad: {  	v59 =	vmov s4;
	s6 =	sadd.s32 s1, s31  }
0xae: {  	p0 =	sne.s32 s0, $0x63;
	v60 =	vmov s6  }
.Ltmp5:
0xaf: {  	[tilespmem:v58+s17+$0x0] =	vst.idx.msk $0x1, v59;
	s4 =	sadd.s32 s3, s4;
	(pc) =	sbr.rel @p0 .LBB2_11-.Ltmp5, $4  }
0xb0: {  	[tilespmem:v58+s16+$0x0] =	vst.idx.msk $0x1, v20;
	v20 =	vmov s4;
	v61, _, _ =	vpop (xrf0)  }
0xb1: {  	v62 =	vmov s1;
	[tilespmem:v58+s19+$0x0] =	vst.idx.msk $0x1, v20;
	v20 =	vbroadcast v61, $0xF  }
0xb2: {  	[tilespmem:v59+s2+$0x0] =	vst.idx.msk $0x1, v4;
	v63 =	vmov s5;
	vm3 =	veq.s32 v62, v0  }
0xb3: {  	s0 =	sadd.s32 $0x1, s0;
	[tilespmem:v60+s15+$0x0] =	vst.idx.msk $0x1, v63;
	v19 =	vsel vm3, v20, v19  }
0xb4: {  	s0 =	simm.s32 $0x0  }
0xb5: {  	v19 =	vmov s0  }
0xb6: {  	v20 =	vshll.u32 v19, $0x7  }
0xb7: {  	s6 =	rddreg [dreg:$0x5];
	s1 =	simm.s32 $0x70;
	v21 =	vor.u32 v0, v20  }
0xb8: {  	[tilespmem:s22], [sflag:$0x1] =	stream.indirect.gather [hbm4b:s6+s1], $0x80, s19, s1, $0xb8;
	[tilespmem:$0xED00] =	vst v63  }
0xb9: {  	_ =	swait.ge [sflag:s24], $0x3800  }
0xba: {  	[sflag:s24] =	ssyncset.done $0x0  }
0xbb: {  	[sflag:s24] =	ssyncadd.s32 $0xFFFFC800  }
0xbc: {  	v22 =	vld.idx.msk [tilespmem:v21+s22+$0x0], $0xffff;
	_ =	sdelay $0x2  }
0xbd: {  	v23 =	vld.idx.msk [tilespmem:v19+s17+$0x0], $0xffff;
	_ =	sdelay $0x1  }
0xbe: {  	v22 =	vsub.f32 $0.0e+00, v22;
	_ =	sdelay $0x1  }
0xbf: {  	v22 =	vmul.f32 $1.442695020e+00, v22;
	_ =	sdelay $0x1  }
0xc0: {  	(erf) = vpow2.f32 v22;
	_ =	sdelay $0x1  }
0xc1: {  	v22 =	vld.idx.msk [tilespmem:v23+s12+$0x0], $0xffff;
	_ =	sdelay $0x4  }
0xc2: {  	v22 =	vsub.f32 $0.0e+00, v22;
	_ =	sdelay $0x1  }
0xc3: {  	v22 =	vmul.f32 $1.442695020e+00, v22;
	v23 =	vpop (erf)  }
0xc4: {  	v23 =	vadd.f32 $1.000000000e+00, v23  }
0xc5: {  	(erf) = vpow2.f32 v22  }
0xc6: {  	(erf) = vrcp.f32 v23;
	_ =	sdelay $0x7  }
0xc7: {  	v22 =	vor.u32 v9, v20;
	v23 =	vpop (erf)  }
0xc8: {  	v24 =	vpop (erf)  }
0xc9: {  	v24 =	vmul.f32 v24, v23;
	_ =	sdelay $0x1  }
0xca: {  	[tilespmem:v21+s23+$0x0] =	vst.idx.msk $0xffff, v24  }
0xcb: {  	v21 =	vld.idx.msk [tilespmem:v22+s22+$0x0], $0xffff;
	_ =	sdelay $0x4  }
0xcc: {  	v21 =	vsub.f32 $0.0e+00, v21;
	_ =	sdelay $0x1  }
0xcd: {  	v21 =	vmul.f32 $1.442695020e+00, v21;
	_ =	sdelay $0x1  }
0xce: {  	(erf) = vpow2.f32 v21;
	_ =	sdelay $0x8  }
0xcf: {  	v21 =	vpop (erf)  }
0xd0: {  	v21 =	vadd.f32 $1.000000000e+00, v21;
	_ =	sdelay $0x1  }
0xd1: {  	(erf) = vrcp.f32 v21;
	_ =	sdelay $0x7  }
0xd2: {  	v21 =	vor.u32 v10, v20  }
0xd3: {  	v25 =	vpop (erf)  }
0xd4: {  	v25 =	vmul.f32 v25, v23;
	_ =	sdelay $0x1  }
0xd5: {  	[tilespmem:v22+s23+$0x0] =	vst.idx.msk $0xffff, v25  }
0xd6: {  	v22 =	vld.idx.msk [tilespmem:v21+s22+$0x0], $0xffff;
	_ =	sdelay $0x4  }
0xd7: {  	v22 =	vsub.f32 $0.0e+00, v22;
	_ =	sdelay $0x1  }
0xd8: {  	v22 =	vmul.f32 $1.442695020e+00, v22;
	_ =	sdelay $0x1  }
0xd9: {  	(erf) = vpow2.f32 v22;
	_ =	sdelay $0x8  }
0xda: {  	v22 =	vpop (erf)  }
0xdb: {  	v22 =	vadd.f32 $1.000000000e+00, v22;
	_ =	sdelay $0x1  }
0xdc: {  	(erf) = vrcp.f32 v22;
	_ =	sdelay $0x7  }
0xdd: {  	v22 =	vor.u32 v11, v20  }
0xde: {  	v26 =	vpop (erf)  }
0xdf: {  	v26 =	vmul.f32 v26, v23;
	_ =	sdelay $0x1  }
0xe0: {  	[tilespmem:v21+s23+$0x0] =	vst.idx.msk $0xffff, v26  }
0xe1: {  	v21 =	vld.idx.msk [tilespmem:v22+s22+$0x0], $0xffff;
	_ =	sdelay $0x4  }
0xe2: {  	v21 =	vsub.f32 $0.0e+00, v21;
	_ =	sdelay $0x1  }
0xe3: {  	v21 =	vmul.f32 $1.442695020e+00, v21;
	_ =	sdelay $0x1  }
0xe4: {  	(erf) = vpow2.f32 v21;
	_ =	sdelay $0x8  }
0xe5: {  	v21 =	vpop (erf)  }
0xe6: {  	v21 =	vadd.f32 $1.000000000e+00, v21;
	_ =	sdelay $0x1  }
0xe7: {  	(erf) = vrcp.f32 v21;
	_ =	sdelay $0x7  }
0xe8: {  	v21 =	vor.u32 v12, v20  }
0xe9: {  	v27 =	vpop (erf)  }
0xea: {  	v27 =	vmul.f32 v27, v23;
	_ =	sdelay $0x1  }
0xeb: {  	[tilespmem:v22+s23+$0x0] =	vst.idx.msk $0xffff, v27  }
0xec: {  	v22 =	vld.idx.msk [tilespmem:v21+s22+$0x0], $0xffff;
	_ =	sdelay $0x4  }
0xed: {  	v22 =	vsub.f32 $0.0e+00, v22;
	_ =	sdelay $0x1  }
0xee: {  	v22 =	vmul.f32 $1.442695020e+00, v22;
	_ =	sdelay $0x1  }
0xef: {  	(erf) = vpow2.f32 v22;
	_ =	sdelay $0x8  }
0xf0: {  	v22 =	vpop (erf)  }
0xf1: {  	v22 =	vadd.f32 $1.000000000e+00, v22;
	_ =	sdelay $0x1  }
0xf2: {  	(erf) = vrcp.f32 v22;
	_ =	sdelay $0x7  }
0xf3: {  	v22 =	vor.u32 v13, v20  }
0xf4: {  	v20 =	vpop (erf)  }
0xf5: {  	v20 =	vmul.f32 v20, v23;
	_ =	sdelay $0x1  }
0xf6: {  	[tilespmem:v21+s23+$0x0] =	vst.idx.msk $0xffff, v20  }
0xf7: {  	v21 =	vld.idx.msk [tilespmem:v22+s22+$0x0], $0xffff;
	_ =	sdelay $0x4  }
0xf8: {  	v21 =	vsub.f32 $0.0e+00, v21;
	_ =	sdelay $0x1  }
0xf9: {  	v21 =	vmul.f32 $1.442695020e+00, v21;
	_ =	sdelay $0x1  }
0xfa: {  	(erf) = vpow2.f32 v21;
	_ =	sdelay $0x8  }
0xfb: {  	v21 =	vpop (erf)  }
0xfc: {  	v21 =	vadd.f32 $1.000000000e+00, v21;
	_ =	sdelay $0x1  }
0xfd: {  	(erf) = vrcp.f32 v21;
	_ =	sdelay $0x7  }
0xfe: {  	v21 =	vmax.f32 v24, $-2.000000000e+00  }
0xff: {  	v21 =	vmax.f32 v21, v25;
	v62 =	vpop (erf)  }
0x100: {  	v21 =	vmax.f32 v21, v26;
	v23 =	vmul.f32 v62, v23  }
0x101: {  	v21 =	vmax.f32 v21, v27  }
0x102: {  	v20 =	vmax.f32 v21, v20;
	v23 =	vnsel vm1, $0xBF800000, v23  }
0x103: {  	v20 =	vmax.f32 v20, v23  }
0x104: {  	(xrf0) =	vmax.scan.msk.f32 $0xffff, v20;
	_ =	sdelay $0x1  }
0x105: {  	s20 =	simm.s32 $0x1  }
0x106: {  	v21 =	vmov s20  }
0x107: {  	v20 =	vshll.u32 v21, $0x7  }
0x108: {  	[tilespmem:v22+s23+$0x0] =	vst.idx.msk $0xffff, v23;
	v23 =	vor.u32 v0, v20  }
0x109: {  	v63, _, _ =	vpop (xrf0)  }
0x10a: {  	s31 =	simm.s32 $0x2;
	v22 =	vbroadcast v63, $0xF  }
.LBB2_13:
0x10b: {  	p0 =	sne.s32 s31, $0x63;
	s0 =	smov.u32 s31;
	s31 =	sadd.s32 $0x1, s31  }
0x10c: {  	[tilespmem:v19+s16+$0x0] =	vst.idx.msk $0x1, v22;
	v19 =	vmov v21  }
0x10d: {  	v22 =	vld.idx.msk [tilespmem:v23+s22+$0x0], $0xffff;
	_ =	sdelay $0x2  }
0x10e: {  	v21 =	vld.idx.msk [tilespmem:v21+s17+$0x0], $0xffff;
	_ =	sdelay $0x2  }
0x10f: {  	v22 =	vsub.f32 $0.0e+00, v22;
	_ =	sdelay $0x1  }
0x110: {  	v22 =	vmul.f32 $1.442695020e+00, v22;
	_ =	sdelay $0x1  }
0x111: {  	(erf) = vpow2.f32 v22  }
0x112: {  	v21 =	vld.idx.msk [tilespmem:v21+s12+$0x0], $0xffff;
	_ =	sdelay $0x5  }
0x113: {  	v21 =	vsub.f32 $0.0e+00, v21;
	_ =	sdelay $0x1  }
0x114: {  	v21 =	vmul.f32 $1.442695020e+00, v21;
	v22 =	vpop (erf)  }
0x115: {  	v22 =	vadd.f32 $1.000000000e+00, v22  }
0x116: {  	(erf) = vpow2.f32 v21  }
0x117: {  	(erf) = vrcp.f32 v22;
	_ =	sdelay $0x6  }
0x118: {  	v24 =	vor.u32 v9, v20  }
0x119: {  	v21 =	vpop (erf)  }
0x11a: {  	v22 =	vpop (erf)  }
0x11b: {  	v22 =	vmul.f32 v22, v21;
	_ =	sdelay $0x1  }
0x11c: {  	[tilespmem:v23+s23+$0x0] =	vst.idx.msk $0xffff, v22  }
0x11d: {  	v23 =	vld.idx.msk [tilespmem:v24+s22+$0x0], $0xffff;
	_ =	sdelay $0x5  }
0x11e: {  	v23 =	vsub.f32 $0.0e+00, v23;
	_ =	sdelay $0x1  }
0x11f: {  	v23 =	vmul.f32 $1.442695020e+00, v23;
	_ =	sdelay $0x1  }
0x120: {  	(erf) = vpow2.f32 v23;
	_ =	sdelay $0x8  }
0x121: {  	v23 =	vpop (erf)  }
0x122: {  	v23 =	vadd.f32 $1.000000000e+00, v23;
	_ =	sdelay $0x1  }
0x123: {  	(erf) = vrcp.f32 v23;
	_ =	sdelay $0x6  }
0x124: {  	v25 =	vor.u32 v10, v20;
	_ =	sdelay $0x1  }
0x125: {  	v23 =	vpop (erf)  }
0x126: {  	v23 =	vmul.f32 v23, v21;
	_ =	sdelay $0x1  }
0x127: {  	[tilespmem:v24+s23+$0x0] =	vst.idx.msk $0xffff, v23  }
0x128: {  	v24 =	vld.idx.msk [tilespmem:v25+s22+$0x0], $0xffff;
	_ =	sdelay $0x5  }
0x129: {  	v24 =	vsub.f32 $0.0e+00, v24;
	_ =	sdelay $0x1  }
0x12a: {  	v24 =	vmul.f32 $1.442695020e+00, v24;
	_ =	sdelay $0x1  }
0x12b: {  	(erf) = vpow2.f32 v24;
	_ =	sdelay $0x8  }
0x12c: {  	v24 =	vpop (erf)  }
0x12d: {  	v24 =	vadd.f32 $1.000000000e+00, v24;
	_ =	sdelay $0x1  }
0x12e: {  	(erf) = vrcp.f32 v24;
	_ =	sdelay $0x6  }
0x12f: {  	v26 =	vor.u32 v11, v20;
	_ =	sdelay $0x1  }
0x130: {  	v24 =	vpop (erf)  }
0x131: {  	v24 =	vmul.f32 v24, v21;
	_ =	sdelay $0x1  }
0x132: {  	[tilespmem:v25+s23+$0x0] =	vst.idx.msk $0xffff, v24  }
0x133: {  	v25 =	vld.idx.msk [tilespmem:v26+s22+$0x0], $0xffff;
	_ =	sdelay $0x5  }
0x134: {  	v25 =	vsub.f32 $0.0e+00, v25;
	_ =	sdelay $0x1  }
0x135: {  	v25 =	vmul.f32 $1.442695020e+00, v25;
	_ =	sdelay $0x1  }
0x136: {  	(erf) = vpow2.f32 v25;
	_ =	sdelay $0x8  }
0x137: {  	v25 =	vpop (erf)  }
0x138: {  	v25 =	vadd.f32 $1.000000000e+00, v25;
	_ =	sdelay $0x1  }
0x139: {  	(erf) = vrcp.f32 v25;
	_ =	sdelay $0x6  }
0x13a: {  	v25 =	vor.u32 v12, v20;
	_ =	sdelay $0x1  }
0x13b: {  	v27 =	vpop (erf)  }
0x13c: {  	v27 =	vmul.f32 v27, v21;
	_ =	sdelay $0x1  }
0x13d: {  	[tilespmem:v26+s23+$0x0] =	vst.idx.msk $0xffff, v27  }
0x13e: {  	v26 =	vld.idx.msk [tilespmem:v25+s22+$0x0], $0xffff;
	_ =	sdelay $0x5  }
0x13f: {  	v26 =	vsub.f32 $0.0e+00, v26;
	_ =	sdelay $0x1  }
0x140: {  	v26 =	vmul.f32 $1.442695020e+00, v26;
	_ =	sdelay $0x1  }
0x141: {  	(erf) = vpow2.f32 v26;
	_ =	sdelay $0x8  }
0x142: {  	v26 =	vpop (erf)  }
0x143: {  	v26 =	vadd.f32 $1.000000000e+00, v26;
	_ =	sdelay $0x1  }
0x144: {  	(erf) = vrcp.f32 v26;
	_ =	sdelay $0x6  }
0x145: {  	v20 =	vor.u32 v13, v20;
	_ =	sdelay $0x1  }
0x146: {  	v26 =	vpop (erf)  }
0x147: {  	v26 =	vmul.f32 v26, v21;
	_ =	sdelay $0x1  }
0x148: {  	[tilespmem:v25+s23+$0x0] =	vst.idx.msk $0xffff, v26  }
0x149: {  	v25 =	vld.idx.msk [tilespmem:v20+s22+$0x0], $0xffff;
	_ =	sdelay $0x5  }
0x14a: {  	v25 =	vsub.f32 $0.0e+00, v25;
	_ =	sdelay $0x1  }
0x14b: {  	v25 =	vmul.f32 $1.442695020e+00, v25;
	_ =	sdelay $0x1  }
0x14c: {  	(erf) = vpow2.f32 v25;
	_ =	sdelay $0x8  }
0x14d: {  	v25 =	vpop (erf)  }
0x14e: {  	v25 =	vadd.f32 $1.000000000e+00, v25;
	_ =	sdelay $0x1  }
0x14f: {  	(erf) = vrcp.f32 v25;
	_ =	sdelay $0x6  }
0x150: {  	v22 =	vmax.f32 v22, $-2.000000000e+00  }
0x151: {  	v22 =	vmax.f32 v22, v23  }
0x152: {  	v22 =	vmax.f32 v22, v24;
	v23 =	vpop (erf)  }
0x153: {  	v22 =	vmax.f32 v22, v27;
	v21 =	vmul.f32 v23, v21  }
0x154: {  	v22 =	vmax.f32 v22, v26  }
0x155: {  	v21 =	vnsel vm1, $0xBF800000, v21  }
0x156: {  	[tilespmem:v20+s23+$0x0] =	vst.idx.msk $0xffff, v21;
	v20 =	vmax.f32 v22, v21  }
0x157: {  	(xrf0) =	vmax.scan.msk.f32 $0xffff, v20;
	_ =	sdelay $0x1  }
0x158: {  	v21 =	vmov s0  }
.Ltmp6:
0x159: {  	v20 =	vshll.u32 v21, $0x7;
	(pc) =	sbr.rel @p0 .LBB2_13-.Ltmp6, $3  }
0x15a: {  	v23 =	vor.u32 v0, v20;
	_ =	sdelay $0x1  }
0x15b: {  	v22, _, _ =	vpop (xrf0)  }
0x15c: {  	v22 =	vbroadcast v22, $0xF  }
0x15d: {  	_ =	sdelay $0x3  }
0x15e: {  	[tilespmem:v19+s16+$0x0] =	vst.idx.msk $0x1, v22  }
0x15f: {  	v19 =	vld.idx.msk [tilespmem:v23+s22+$0x0], $0xffff;
	_ =	sdelay $0x2  }
0x160: {  	v22 =	vld.idx.msk [tilespmem:v21+s17+$0x0], $0xffff;
	_ =	sdelay $0x1  }
0x161: {  	v19 =	vsub.f32 $0.0e+00, v19;
	_ =	sdelay $0x1  }
0x162: {  	v19 =	vmul.f32 $1.442695020e+00, v19;
	_ =	sdelay $0x1  }
0x163: {  	(erf) = vpow2.f32 v19;
	_ =	sdelay $0x1  }
0x164: {  	v19 =	vld.idx.msk [tilespmem:v22+s12+$0x0], $0xffff;
	_ =	sdelay $0x4  }
0x165: {  	v19 =	vsub.f32 $0.0e+00, v19;
	_ =	sdelay $0x1  }
0x166: {  	v19 =	vmul.f32 $1.442695020e+00, v19;
	v56 =	vpop (erf)  }
0x167: {  	v22 =	vadd.f32 $1.000000000e+00, v56  }
0x168: {  	(erf) = vpow2.f32 v19  }
0x169: {  	(erf) = vrcp.f32 v22;
	_ =	sdelay $0x7  }
0x16a: {  	v19 =	vor.u32 v9, v20;
	v57 =	vpop (erf)  }
0x16b: {  	v24 =	vpop (erf)  }
0x16c: {  	v24 =	vmul.f32 v24, v57;
	_ =	sdelay $0x1  }
0x16d: {  	[tilespmem:v23+s23+$0x0] =	vst.idx.msk $0xffff, v24  }
0x16e: {  	v23 =	vld.idx.msk [tilespmem:v19+s22+$0x0], $0xffff;
	_ =	sdelay $0x4  }
0x16f: {  	v23 =	vsub.f32 $0.0e+00, v23;
	_ =	sdelay $0x1  }
0x170: {  	v23 =	vmul.f32 $1.442695020e+00, v23;
	_ =	sdelay $0x1  }
0x171: {  	(erf) = vpow2.f32 v23;
	_ =	sdelay $0x8  }
0x172: {  	v23 =	vpop (erf)  }
0x173: {  	v23 =	vadd.f32 $1.000000000e+00, v23;
	_ =	sdelay $0x1  }
0x174: {  	(erf) = vrcp.f32 v23;
	_ =	sdelay $0x7  }
0x175: {  	v58 =	vor.u32 v10, v20  }
0x176: {  	v25 =	vpop (erf)  }
0x177: {  	v25 =	vmul.f32 v25, v57;
	_ =	sdelay $0x1  }
0x178: {  	[tilespmem:v19+s23+$0x0] =	vst.idx.msk $0xffff, v25  }
0x179: {  	v19 =	vld.idx.msk [tilespmem:v58+s22+$0x0], $0xffff;
	_ =	sdelay $0x4  }
0x17a: {  	v19 =	vsub.f32 $0.0e+00, v19;
	_ =	sdelay $0x1  }
0x17b: {  	v19 =	vmul.f32 $1.442695020e+00, v19;
	_ =	sdelay $0x1  }
0x17c: {  	(erf) = vpow2.f32 v19;
	_ =	sdelay $0x8  }
0x17d: {  	v19 =	vpop (erf)  }
0x17e: {  	v19 =	vadd.f32 $1.000000000e+00, v19;
	_ =	sdelay $0x1  }
0x17f: {  	(erf) = vrcp.f32 v19;
	_ =	sdelay $0x7  }
0x180: {  	v19 =	vor.u32 v11, v20  }
0x181: {  	v26 =	vpop (erf)  }
0x182: {  	v26 =	vmul.f32 v26, v57;
	_ =	sdelay $0x1  }
0x183: {  	[tilespmem:v58+s23+$0x0] =	vst.idx.msk $0xffff, v26  }
0x184: {  	v23 =	vld.idx.msk [tilespmem:v19+s22+$0x0], $0xffff;
	_ =	sdelay $0x4  }
0x185: {  	v23 =	vsub.f32 $0.0e+00, v23;
	_ =	sdelay $0x1  }
0x186: {  	v23 =	vmul.f32 $1.442695020e+00, v23;
	_ =	sdelay $0x1  }
0x187: {  	(erf) = vpow2.f32 v23;
	_ =	sdelay $0x8  }
0x188: {  	v23 =	vpop (erf)  }
0x189: {  	v23 =	vadd.f32 $1.000000000e+00, v23;
	_ =	sdelay $0x1  }
0x18a: {  	(erf) = vrcp.f32 v23;
	_ =	sdelay $0x7  }
0x18b: {  	v59 =	vor.u32 v12, v20  }
0x18c: {  	v27 =	vpop (erf)  }
0x18d: {  	v27 =	vmul.f32 v27, v57;
	_ =	sdelay $0x1  }
0x18e: {  	[tilespmem:v19+s23+$0x0] =	vst.idx.msk $0xffff, v27  }
0x18f: {  	v19 =	vld.idx.msk [tilespmem:v59+s22+$0x0], $0xffff;
	_ =	sdelay $0x4  }
0x190: {  	v19 =	vsub.f32 $0.0e+00, v19;
	_ =	sdelay $0x1  }
0x191: {  	v19 =	vmul.f32 $1.442695020e+00, v19;
	_ =	sdelay $0x1  }
0x192: {  	(erf) = vpow2.f32 v19;
	_ =	sdelay $0x8  }
0x193: {  	v19 =	vpop (erf)  }
0x194: {  	v19 =	vadd.f32 $1.000000000e+00, v19;
	_ =	sdelay $0x1  }
0x195: {  	(erf) = vrcp.f32 v19;
	_ =	sdelay $0x7  }
0x196: {  	v19 =	vor.u32 v13, v20  }
0x197: {  	v20 =	vpop (erf)  }
0x198: {  	v20 =	vmul.f32 v20, v57;
	_ =	sdelay $0x1  }
0x199: {  	[tilespmem:v59+s23+$0x0] =	vst.idx.msk $0xffff, v20  }
0x19a: {  	v23 =	vld.idx.msk [tilespmem:v19+s22+$0x0], $0xffff;
	_ =	sdelay $0x4  }
0x19b: {  	v23 =	vsub.f32 $0.0e+00, v23;
	_ =	sdelay $0x1  }
0x19c: {  	v23 =	vmul.f32 $1.442695020e+00, v23;
	_ =	sdelay $0x1  }
0x19d: {  	(erf) = vpow2.f32 v23;
	_ =	sdelay $0x8  }
0x19e: {  	v23 =	vpop (erf)  }
0x19f: {  	v23 =	vadd.f32 $1.000000000e+00, v23;
	_ =	sdelay $0x1  }
0x1a0: {  	(erf) = vrcp.f32 v23;
	_ =	sdelay $0x7  }
0x1a1: {  	v60 =	vmax.f32 v24, $-2.000000000e+00  }
0x1a2: {  	v23 =	vmax.f32 v60, v25;
	v61 =	vpop (erf)  }
0x1a3: {  	v23 =	vmax.f32 v23, v26;
	v22 =	vmul.f32 v61, v57  }
0x1a4: {  	v23 =	vmax.f32 v23, v27  }
0x1a5: {  	v20 =	vmax.f32 v23, v20;
	v22 =	vnsel vm1, $0xBF800000, v22  }
0x1a6: {  	v20 =	vmax.f32 v20, v22  }
0x1a7: {  	(xrf0) =	vmax.scan.msk.f32 $0xffff, v20;
	_ =	sdelay $0x5  }
0x1a8: {  	v20, _, _ =	vpop (xrf0)  }
0x1a9: {  	v20 =	vbroadcast v20, $0xF  }
0x1aa: {  	[tilespmem:v19+s23+$0x0] =	vst.idx.msk $0xffff, v22  }
0x1ab: {  	[tilespmem:v21+s16+$0x0] =	vst.idx.msk $0x1, v20  }
0x1ac: {  	v19 =	vld.idx.msk [tilespmem:v0+s16+$0x0], $0xffff  }
0x1ad: {  	v20 =	vld.idx.msk [tilespmem:v9+s16+$0x0], $0xffff  }
0x1ae: {  	v21 =	vld.idx.msk [tilespmem:v10+s16+$0x0], $0xffff  }
0x1af: {  	v22 =	vld.idx.msk [tilespmem:v11+s16+$0x0], $0xffff  }
0x1b0: {  	v62 =	vld.idx.msk [tilespmem:v12+s16+$0x0], $0xffff  }
0x1b1: {  	v63 =	vld.idx.msk [tilespmem:v13+s16+$0x0], $0xffff;
	v19 =	vmax.f32 v19, $-2.000000000e+00  }
0x1b2: {  	v19 =	vmax.f32 v19, v20;
	v20 =	vld.idx.msk [tilespmem:v3+s16+$0x0], $0xffff  }
0x1b3: {  	v19 =	vmax.f32 v19, v21  }
0x1b4: {  	v19 =	vmax.f32 v19, v22  }
0x1b5: {  	v19 =	vmax.f32 v19, v62  }
0x1b6: {  	v19 =	vmax.f32 v19, v63  }
0x1b7: {  	s0 =	simm.s32 $0x0;
	s31 =	simm.s32 $0x0;
	[tilespmem:v3+s25+$0x0] =	vst.idx.msk $0xffff, v5;
	v19 =	vmax.f32 v19, v20  }
.LBB2_15:
0x1b8: {  	(xrf0) =	vmax.scan.msk.f32 $0xffff, v19;
	_ =	sdelay $0x5  }
0x1b9: {  	v20, _, _ =	vpop (xrf0)  }
0x1ba: {  	v20 =	vbroadcast v20, $0xF;
	_ =	sdelay $0x1  }
0x1bb: {  	vm3 =	veq.f32 v19, v20  }
0x1bc: {  	v21 =	vnsel vm3, $0x80100000, v6  }
0x1bd: {  	(xrf0) =	vmin.scan.msk.u32 $0xffff, v21;
	_ =	sdelay $0x5  }
0x1be: {  	v21, _, _ =	vpop (xrf0)  }
0x1bf: {  	(v2sf) =	vpush v21, $0xF;
	_ =	sdelay $0xe  }
0x1c0: {  	s1 =	spop (v2sf)  }
0x1c1: {  	s1 =	sxor.u32 $0x80000000, s1  }
0x1c2: {  	v34 =	vadd.s32 s1, v2  }
0x1c3: {  	v21 =	vnsel vm2, $0x0, v34;
	_ =	sdelay $0x4  }
0x1c4: {  	v21 =	vld.idx.msk [tilespmem:v21+s16+$0x0], $0xffff;
	_ =	sdelay $0x4  }
0x1c5: {  	v21 =	vnsel vm2, $0xC0000000, v21  }
0x1c6: {  	vm3 =	veq.f32 v21, v20  }
0x1c7: {  	v22 =	vnsel vm3, $0x80100000, v6  }
0x1c8: {  	(xrf0) =	vmin.scan.msk.u32 $0xffff, v22;
	_ =	sdelay $0x5  }
0x1c9: {  	v22, _, _ =	vpop (xrf0)  }
0x1ca: {  	(v2sf) =	vpush v22, $0xF;
	_ =	sdelay $0xe  }
0x1cb: {  	s20 =	spop (v2sf)  }
0x1cc: {  	s4 =	sshll.u32 s20, $0x4  }
0x1cd: {  	s4 =	sadd.s32 s1, s4  }
0x1ce: {  	v35 =	vmov s4  }
0x1cf: {  	v23 =	vshll.u32 v35, $0x7  }
0x1d0: {  	v24 =	vor.u32 v0, v23  }
0x1d1: {  	v25 =	vor.u32 v9, v23;
	_ =	sdelay $0x1  }
0x1d2: {  	v26 =	vor.u32 v10, v23;
	_ =	sdelay $0x1  }
0x1d3: {  	v27 =	vor.u32 v11, v23;
	v24 =	vld.idx.msk [tilespmem:v24+s23+$0x0], $0xffff  }
0x1d4: {  	v25 =	vld.idx.msk [tilespmem:v25+s23+$0x0], $0xffff  }
0x1d5: {  	v28 =	vor.u32 v12, v23  }
0x1d6: {  	v26 =	vld.idx.msk [tilespmem:v26+s23+$0x0], $0xffff  }
0x1d7: {  	v29 =	vor.u32 v13, v23  }
0x1d8: {  	v27 =	vld.idx.msk [tilespmem:v27+s23+$0x0], $0xffff;
	vm3 =	veq.f32 v24, v20  }
0x1d9: {  	v30 =	vnsel vm3, $0x80100000, v6;
	vm3 =	veq.f32 v25, v20  }
0x1da: {  	v28 =	vld.idx.msk [tilespmem:v28+s23+$0x0], $0xffff;
	(xrf0) =	vmin.scan.msk.u32 $0xffff, v30;
	v36 =	vnsel vm3, $0x80100000, v8  }
0x1db: {  	vm3 =	veq.f32 v26, v20;
	(xrf0) =	vmin.scan.msk.u32 $0xffff, v36  }
0x1dc: {  	v29 =	vld.idx.msk [tilespmem:v29+s23+$0x0], $0xffff;
	v37 =	vnsel vm3, $0x80100000, v14  }
0x1dd: {  	vm3 =	veq.f32 v27, v20;
	(xrf0) =	vmin.scan.msk.u32 $0xffff, v37  }
0x1de: {  	v38 =	vnsel vm3, $0x80100000, v15  }
0x1df: {  	vm3 =	veq.f32 v28, v20;
	(xrf0) =	vmin.scan.msk.u32 $0xffff, v38  }
0x1e0: {  	v31 =	vnsel vm3, $0x80100000, v16;
	v39, _, _ =	vpop (xrf0)  }
0x1e1: {  	vm3 =	veq.f32 v29, v20;
	(xrf0) =	vmin.scan.msk.u32 $0xffff, v31;
	(v2sf) =	vpush v39, $0xF;
	v40, _, _ =	vpop (xrf0)  }
0x1e2: {  	v41 =	vnsel vm3, $0x80100000, v17;
	(v2sf) =	vpush v40, $0xF  }
0x1e3: {  	(xrf0) =	vmin.scan.msk.u32 $0xffff, v41;
	v42, _, _ =	vpop (xrf0)  }
0x1e4: {  	(v2sf) =	vpush v42, $0xF  }
0x1e5: {  	v43, _, _ =	vpop (xrf0)  }
0x1e6: {  	(v2sf) =	vpush v43, $0xF  }
0x1e7: {  	v44, _, _ =	vpop (xrf0)  }
0x1e8: {  	(v2sf) =	vpush v44, $0xF  }
0x1e9: {  	v45, _, _ =	vpop (xrf0)  }
0x1ea: {  	(v2sf) =	vpush v45, $0xF;
	_ =	sdelay $0x5  }
0x1eb: {  	s6 =	spop (v2sf)  }
0x1ec: {  	s5 =	spop (v2sf)  }
0x1ed: {  	s4 =	sxor.u32 $0x80000000, s6;
	s5 =	sxor.u32 $0x80000000, s5  }
0x1ee: {  	s6 =	spop (v2sf);
	p0 =	slt.s32 s4, s5  }
0x1ef: {  	s5 =	smov.u32 @p0 s4;
	s4 =	sxor.u32 $0x80000000, s6  }
0x1f0: {  	s6 =	spop (v2sf);
	p0 =	slt.s32 s5, s4  }
0x1f1: {  	s4 =	smov.u32 @p0 s5;
	s5 =	sxor.u32 $0x80000000, s6  }
0x1f2: {  	s6 =	spop (v2sf);
	p0 =	slt.s32 s4, s5  }
0x1f3: {  	s5 =	smov.u32 @p0 s4;
	s4 =	sxor.u32 $0x80000000, s6  }
0x1f4: {  	s6 =	spop (v2sf);
	p0 =	slt.s32 s5, s4  }
0x1f5: {  	s4 =	smov.u32 @p0 s5;
	s5 =	sxor.u32 $0x80000000, s6  }
0x1f6: {  	p0 =	slt.s32 s4, s5  }
0x1f7: {  	s5 =	smov.u32 @p0 s4  }
0x1f8: {  	p0 =	slt.s32 s5, $0x100000  }
0x1f9: {  	s5 =	simm.s32 @!p0 $0x100000  }
0x1fa: {  	v46 =	vmov s5  }
0x1fb: {  	vm3 =	veq.s32 v46, v0  }
0x1fc: {  	v24 =	vsel vm3, $0xBF800000, v24;
	vm3 =	veq.s32 v46, v9  }
0x1fd: {  	(xrf0) =	vmax.scan.msk.f32 $0xffff, v24;
	v47 =	vsel vm3, $0xBF800000, v25;
	vm3 =	veq.s32 v46, v10  }
0x1fe: {  	(xrf0) =	vmax.scan.msk.f32 $0xffff, v47;
	v48 =	vsel vm3, $0xBF800000, v26;
	vm3 =	veq.s32 v46, v11  }
0x1ff: {  	(xrf0) =	vmax.scan.msk.f32 $0xffff, v48;
	v49 =	vsel vm3, $0xBF800000, v27;
	vm3 =	veq.s32 v46, v12  }
0x200: {  	(xrf0) =	vmax.scan.msk.f32 $0xffff, v49;
	v50 =	vsel vm3, $0xBF800000, v28;
	vm3 =	veq.s32 v46, v13  }
0x201: {  	(xrf0) =	vmax.scan.msk.f32 $0xffff, v50;
	v51 =	vsel vm3, $0xBF800000, v29  }
0x202: {  	(xrf0) =	vmax.scan.msk.f32 $0xffff, v51  }
0x203: {  	v52, _, _ =	vpop (xrf0)  }
0x204: {  	v53, _, _ =	vpop (xrf0);
	(v2sf) =	vpush v52, $0xF  }
0x205: {  	v54, _, _ =	vpop (xrf0);
	(v2sf) =	vpush v53, $0xF  }
0x206: {  	v55, _, _ =	vpop (xrf0);
	(v2sf) =	vpush v54, $0xF  }
0x207: {  	v56, _, _ =	vpop (xrf0);
	(v2sf) =	vpush v55, $0xF  }
0x208: {  	(v2sf) =	vpush v56, $0xF;
	v57, _, _ =	vpop (xrf0)  }
0x209: {  	(v2sf) =	vpush v57, $0xF;
	_ =	sdelay $0x9  }
0x20a: {  	s5 =	spop (v2sf)  }
0x20b: {  	v58 =	vand.u32 $0xFFFFFF80, v46;
	s6 =	spop (v2sf);
	s4 =	smax.f32 s5, $-2.000000000e+00  }
0x20c: {  	v59 =	vand.u32 $0x7F, v46;
	v23 =	vadd.s32 v23, v58;
	s4 =	smax.f32 s4, s6;
	s6 =	spop (v2sf)  }
0x20d: {  	v23 =	vor.u32 v59, v23;
	s4 =	smax.f32 s4, s6;
	s6 =	spop (v2sf)  }
0x20e: {  	s20 =	sxor.u32 $0x80000000, s20;
	s4 =	smax.f32 s4, s6;
	s6 =	spop (v2sf)  }
0x20f: {  	v61 =	vmov s31;
	v60 =	vmov s20;
	s4 =	smax.f32 s4, s6;
	s20 =	spop (v2sf)  }
0x210: {  	vm3 =	veq.s32 v60, v0;
	s4 =	smax.f32 s4, s20  }
0x211: {  	v21 =	vsel vm3, s4, v21  }
0x212: {  	[tilespmem:v23+s23+$0x0] =	vst.idx.msk $0x1, v4;
	v62 =	vmov s4;
	(xrf0) =	vmax.scan.msk.f32 $0xffff, v21  }
0x213: {  	[tilespmem:v35+s16+$0x0] =	vst.idx.msk $0x1, v62  }
0x214: {  	[tilespmem:v61+s26+$0x0] =	vst.idx.msk $0x1, v20  }
0x215: {  	[tilespmem:v61+s28+$0x0] =	vst.idx.msk $0x1, v46  }
0x216: {  	p0 =	sne.s32 s31, $0x63;
	v20 =	vld.idx.msk [tilespmem:v35+s17+$0x0], $0xffff  }
.Ltmp7:
0x217: {  	_ = 	snop;
	(pc) =	sbr.rel @p0 .LBB2_15-.Ltmp7, $4  }
0x218: {  	v21, _, _ =	vpop (xrf0)  }
0x219: {  	v63 =	vmov s1;
	v21 =	vbroadcast v21, $0xF  }
0x21a: {  	vm3 =	veq.s32 v63, v0  }
0x21b: {  	s31 =	sadd.s32 $0x1, s31;
	[tilespmem:v61+s25+$0x0] =	vst.idx.msk $0x1, v20;
	v19 =	vsel vm3, v21, v19  }
0x21c: {  	v20 =	vor.u32 s0, v0  }
0x21d: {  	v19 =	vshrl.u32 v20, $0x2;
	_ =	sdelay $0x4  }
0x21e: {  	v21 =	vld.idx.msk [tilespmem:v19+s25+$0x0], $0xffff;
	_ =	sdelay $0x3  }
0x21f: {  	v19 =	vand.u32 $0x1, v0  }
0x220: {  	v22 =	vor.u32 $0x2, v19;
	v21 =	vshll.u32 v21, $0x2  }
0x221: {  	v23 =	vor.u32 v22, v21;
	_ =	sdelay $0x1  }
0x222: {  	v24 =	vor.u32 v19, v21;
	_ =	sdelay $0x1  }
0x223: {  	v21 =	vand.u32 $0x3, v0  }
0x224: {  	v23 =	vld.idx.msk [tilespmem:v23+s13+$0x0], $0xffff;
	_ =	sdelay $0x1  }
0x225: {  	v24 =	vld.idx.msk [tilespmem:v24+s13+$0x0], $0xffff;
	_ =	sdelay $0x1  }
0x226: {  	v25 =	vld.idx.msk [tilespmem:v21+s14+$0x0], $0xffff  }
0x227: {  	s31 =	simm.s32 $0x10;
	v26 =	vmul.f32 v18, v23  }
0x228: {  	s0 =	simm.s32 $0x20;
	v23 =	vor.u32 s31, v0  }
.LBB2_17:
0x229: {  	p0 =	sne.s32 s0, $0x1B0;
	v27 =	vshrl.u32 v23, $0x2;
	v24 =	vadd.f32 v26, v24;
	_ =	sdelay $0x1  }
0x22a: {  	v24 =	vmul.f32 v24, v25;
	_ =	sdelay $0x1  }
0x22b: {  	[tilespmem:v20+s29+$0x0] =	vst.idx.msk $0xffff, v24;
	v20 =	vmov v23  }
0x22c: {  	v23 =	vld.idx.msk [tilespmem:v27+s25+$0x0], $0xffff;
	_ =	sdelay $0x5  }
0x22d: {  	v23 =	vshll.u32 v23, $0x2  }
0x22e: {  	v24 =	vor.u32 v22, v23;
	_ =	sdelay $0x1  }
0x22f: {  	v23 =	vor.u32 v19, v23;
	_ =	sdelay $0x2  }
0x230: {  	v26 =	vld.idx.msk [tilespmem:v24+s13+$0x0], $0xffff;
	_ =	sdelay $0x1  }
0x231: {  	v24 =	vld.idx.msk [tilespmem:v23+s13+$0x0], $0xffff  }
.Ltmp8:
0x232: {  	(pc) =	sbr.rel @p0 .LBB2_17-.Ltmp8, $3  }
0x233: {  	v25 =	vld.idx.msk [tilespmem:v21+s14+$0x0], $0xffff;
	_ =	sdelay $0x1  }
0x234: {  	v26 =	vmul.f32 v18, v26  }
0x235: {  	v23 =	vor.u32 s0, v0;
	s0 =	sadd.s32 $0x10, s0  }
0x236: {  	v27 =	vshrl.u32 v23, $0x2;
	v24 =	vadd.f32 v26, v24;
	_ =	sdelay $0x1  }
0x237: {  	v24 =	vmul.f32 v24, v25;
	_ =	sdelay $0x1  }
0x238: {  	[tilespmem:v20+s29+$0x0] =	vst.idx.msk $0xffff, v24  }
0x239: {  	v20 =	vld.idx.msk [tilespmem:v27+s25+$0x0], $0xffff;
	_ =	sdelay $0x4  }
0x23a: {  	v20 =	vshll.u32 v20, $0x2  }
0x23b: {  	v22 =	vor.u32 v22, v20;
	_ =	sdelay $0x1  }
0x23c: {  	v19 =	vor.u32 v19, v20;
	_ =	sdelay $0x2  }
0x23d: {  	v20 =	vld.idx.msk [tilespmem:v22+s13+$0x0], $0xffff;
	_ =	sdelay $0x1  }
0x23e: {  	v19 =	vld.idx.msk [tilespmem:v19+s13+$0x0], $0xffff;
	_ =	sdelay $0x1  }
0x23f: {  	v21 =	vld.idx.msk [tilespmem:v21+s14+$0x0], $0xffff  }
0x240: {  	v20 =	vmul.f32 v18, v20;
	_ =	sdelay $0x1  }
0x241: {  	v19 =	vadd.f32 v20, v19;
	_ =	sdelay $0x1  }
0x242: {  	v19 =	vmul.f32 v19, v21;
	_ =	sdelay $0x1  }
0x243: {  	[tilespmem:v23+s29+$0x0] =	vst.idx.msk $0xffff, v19  }
0x244: {  	[hbm4b:s8+s2] =	stream.linear.scatter [tilespmem:s26], [sflag:$0x2], $0x70, $0x38;
	[tilespmem:$0xED00] =	vst v63  }
0x245: {  	_ =	swait.ge [sflag:s21], $0x70  }
0x246: {  	[sflag:s21] =	ssyncset.done $0x0  }
0x247: {  	[sflag:s21] =	ssyncadd.s32 $0xFFFFFF90  }
0x248: {  	[hbm4b:s9+s2] =	stream.linear.scatter [tilespmem:s28], [sflag:$0x2], $0x70, $0x38;
	[tilespmem:$0xED00] =	vst v63  }
0x249: {  	s30 =	sadd.s32 $0x1, s30;
	_ =	swait.ge [sflag:s21], $0x70  }
0x24a: {  	p0 =	sne.s32 s30, s18;
	[sflag:s21] =	ssyncset.done $0x0  }
.Ltmp9:
0x24b: {  	[sflag:s21] =	ssyncadd.s32 $0xFFFFFF90;
	(pc) =	sbr.rel @p0 .LBB2_2-.Ltmp9, $4  }
0x24c: {  	[hbm4b:s10+s2] =	stream.linear.scatter [tilespmem:s29], [sflag:$0x2], $0x1C0, $0x38;
	[tilespmem:$0xED00] =	vst v63  }
0x24d: {  	_ =	swait.ge [sflag:s21], $0x1C0  }
0x24e: {  	[sflag:s21] =	ssyncset.done $0x0  }
0x24f: {  	[sflag:s21] =	ssyncadd.s32 $0xFFFFFE40  }
.LBB2_19:
0x250: {  	_ =	sfence.sel $0x180000  }
0x251: {  	[bflag:$0x0] =	sbarrier.arrive $0xFFFF  }
0x252: {  	_ =	strace $0x90000047  }
0x253: {  	s0 =	stileid.u32;
	[bflag:$0x2] =	sbarrier.arrive $0xFFFF  }
0x254: {  	p0 =	sne.s32 s0, $0x0;
	s0 =	rddreg [dreg:$0x4]  }
0x255: {  	s0 =	sadd.s32 @!p0 $0x100000, s0  }
0x256: {  	[sflag:s0] =	ssyncadd.tile.s32 @!p0 $0x1;
	_ =	shalt  }
.Lfunc_end2:
_tile_overlayer_lowered:
.L_overlay_start_2:
0x257: {  	(tag) =	ssettag $0x2  }
0x258: {  	s0 =	rddreg [dreg:$0x0];
	s2 =	stileid.u32  }
0x259: {  	s1 =	rddreg [dreg:$0x1];
	p0 =	sne.s32 s2, $0x0  }
0x25a: {  	s3 =	rddreg [dreg:$0x2];
	[bflag:$0x3] =	sbarrier.arrive $0xFFFF;
	s2 =	simm.s32 @!p0 $0x1C02  }
0x25b: {  	[timem:s3], [sflag:s2] =	dma.local @!p0 [hbm:s0], s1  }
0x25c: {  	s0 =	simm.s32 @!p0 $0x2  }
0x25d: {  	_ =	swait.ge @!p0 [sflag:s0], s1  }
0x25e: {  	s1 =	ssub.s32 @!p0 $0x0, s1;
	[sflag:s0] =	ssyncset.done @!p0 $0x0  }
0x25f: {  	[sflag:s0] =	ssyncadd.s32 @!p0 s1  }
0x260: {  	[bflag:$0x3] =	sbarrier.arrive $0xFFFF  }
0x261: {  	_ =	shalt  }

</sc_bundles>
